<compile_context>
chip_gen: v7x
topology: tpu7x:2x2x1
jax: 0.10.2.dev20260603
libtpu: 0.0.44.dev20260713+nightly
codegen_flags: <defaults>
</compile_context>

<pallas_src>
import functools

import numpy as np
import jax
import jax.numpy as jnp
from jax import lax
from jax.experimental import pallas as pl
from jax.experimental.pallas import tpu as pltpu
from jax.experimental.pallas import tpu_sc as plsc

P = 4096
K = 8192
N = 1000000
NROWS = 7840
NPAD = NROWS * 128

NW = 32
SH_MAIN = 31248
SH_LAST = 31312
VECS_MAIN = SH_MAIN // 16
VECS_LAST = SH_LAST // 16
UNROLL = 16

NBINS = 1 << 14
SHIFT = 32 - 14
HROWS = NBINS // 128

NCHEB = 6
_jj = np.arange(NCHEB) + 0.5
_NODES_X = np.cos(_jj * np.pi / NCHEB)
_CHEB_T = (2.0 / NCHEB) * np.cos(
    np.outer(np.arange(NCHEB), _jj) * np.pi / NCHEB)


def _ukey32(bits):
    sign = bits >> jnp.uint32(31)
    return jnp.where(sign == jnp.uint32(1), ~bits, bits | jnp.uint32(0x80000000))


def _softplus_sum(v, pos):
    d = v - pos
    return jnp.sum(jnp.maximum(d, 0.0) + jnp.log(1.0 + jnp.exp(-jnp.abs(d))))



@functools.cache
def _make_sc_hist():
    mesh = plsc.VectorSubcoreMesh(core_axis_name="c", subcore_axis_name="s",
                                  num_cores=2, num_subcores=16)
    return functools.partial(
        pl.kernel,
        out_type=jax.ShapeDtypeStruct((NW, NBINS), jnp.int32),
        mesh=mesh,
        scratch_types=[
            pltpu.VMEM((SH_LAST,), jnp.float32),
            pltpu.VMEM((NBINS,), jnp.int32),
        ],
        compiler_params=pltpu.CompilerParams(needs_layout_passes=False),
    )(_sc_hist_body)


def _sc_hist_body(neg_hbm, out_hbm, data_v, hist_v):
    wid = lax.axis_index("s") * 2 + lax.axis_index("c")
    pltpu.sync_copy(neg_hbm.at[pl.ds(wid * SH_MAIN, SH_LAST)], data_v)

    zeros = jnp.zeros((16,), jnp.int32)

    @plsc.parallel_loop(0, NBINS // 16, unroll=UNROLL)
    def _(i):
        hist_v[pl.ds(i * 16, 16)] = zeros

    ones = jnp.ones((16,), jnp.int32)

    def one_vec(i):
        v = data_v[pl.ds(i * 16, 16)]
        ukey = _ukey32(lax.bitcast_convert_type(v, jnp.uint32))
        bins = (ukey >> jnp.uint32(SHIFT)).astype(jnp.int32)
        plsc.addupdate_scatter(hist_v, [bins], ones)

    @plsc.parallel_loop(0, VECS_MAIN, unroll=UNROLL)
    def _(i):
        one_vec(i)

    @pl.when(wid == NW - 1)
    def _():
        for i in range(VECS_MAIN, VECS_LAST):
            one_vec(i)

    pltpu.sync_copy(hist_v, out_hbm.at[wid])



def _tc_body(pos_ref, neg_ref, hist_ref, out_ref):
    cnt = jnp.sum(hist_ref[...].astype(jnp.float32), axis=0)

    r2 = lax.broadcasted_iota(jnp.int32, (HROWS, HROWS), 0)
    c2 = lax.broadcasted_iota(jnp.int32, (HROWS, HROWS), 1)
    after = (c2 > r2).astype(jnp.float32)
    rl = lax.broadcasted_iota(jnp.int32, (128, 128), 0)
    cl = lax.broadcasted_iota(jnp.int32, (128, 128), 1)
    ge_lane = (rl >= cl).astype(jnp.float32)

    row_tot = jnp.sum(cnt, axis=1, keepdims=True)
    suf_after = jax.lax.dot_general(
        after, row_tot, (((1,), (0,)), ((), ())),
        preferred_element_type=jnp.float32)
    suf_lane = jax.lax.dot_general(
        cnt, ge_lane, (((1,), (0,)), ((), ())),
        preferred_element_type=jnp.float32)
    suf = suf_lane + suf_after

    ridx = lax.broadcasted_iota(jnp.int32, (HROWS, 128), 0)
    lidx = lax.broadcasted_iota(jnp.int32, (HROWS, 128), 1)
    idx2d = ridx * 128 + lidx
    b_star = jnp.max(jnp.where(suf >= float(K), idx2d, -1))

    t_ukey = b_star.astype(jnp.uint32) << jnp.uint32(SHIFT)
    tau_bits = jnp.where((t_ukey >> jnp.uint32(31)) == jnp.uint32(1),
                         t_ukey ^ jnp.uint32(0x80000000), ~t_ukey)
    tau = lax.bitcast_convert_type(tau_bits, jnp.float32)

    vmax = jnp.max(neg_ref[...])
    c0 = (tau + vmax) * 0.5 + 5e-4
    c1 = (vmax - tau) * 0.5 + 1e-3

    pos = pos_ref[...]
    gvals = [_softplus_sum(c0 + c1 * float(_NODES_X[j]), pos) for j in range(NCHEB)]
    g_tau = _softplus_sum(tau, pos)
    coef = [sum(float(_CHEB_T[kk, j]) * gvals[j] for j in range(NCHEB))
            for kk in range(NCHEB)]

    negs = neg_ref[...]
    mask = negs >= tau
    x = (negs - c0) * (1.0 / c1)
    x2 = x + x
    b1 = jnp.zeros_like(x)
    b2 = jnp.zeros_like(x)
    for kk in range(NCHEB - 1, 0, -1):
        b0 = coef[kk] + x2 * b1 - b2
        b2 = b1
        b1 = b0
    f = 0.5 * coef[0] + x * b1 - b2
    s_poly = jnp.sum(jnp.where(mask, f, 0.0))
    cnt_ge = jnp.sum(mask.astype(jnp.float32))
    loss_sum = s_poly + (float(K) - cnt_ge) * g_tau
    out_ref[0, 0] = loss_sum / float(P * K)


@jax.jit
def kernel(pos_scores, neg_scores):
    pos2d = pos_scores.reshape(32, 128)
    pad = jnp.full((NPAD - N,), -jnp.inf, dtype=jnp.float32)
    neg1d = jnp.concatenate([neg_scores, pad])
    hist = _make_sc_hist()(neg_scores)
    out = pl.pallas_call(
        _tc_body,
        out_shape=jax.ShapeDtypeStruct((1, 1), jnp.float32),
        out_specs=pl.BlockSpec(memory_space=pltpu.SMEM),
        scratch_shapes=[],
    )(pos2d, neg1d.reshape(NROWS, 128), hist.reshape(NW, HROWS, 128))
    return out[0, 0]

# --- scband reference (transcript-rebuilt; emitter-appended) ---
"""Pipeline reference for scband-ranker-loss-25357486916032 (READ-ONLY COPY).

The authoritative reference and input builder live on the scoring server;
editing this copy changes nothing except your own understanding.
"""

import jax, jax.numpy as jnp
import numpy as np

NUM_NEGATIVES = 8192


def setup_inputs(seed: int = 0) -> dict:
    key = jax.random.key(seed)
    k1, k2 = jax.random.split(key)
    pos_scores = jax.random.normal(k1, (4096,), dtype=jnp.float32)
    neg_scores = jax.random.normal(k2, (1000000,), dtype=jnp.float32)
    return {"pos_scores": pos_scores, "neg_scores": neg_scores}


def reference(pos_scores, neg_scores):
    # PurchasedNegativeSampler with sampling_strategy='hard':
    # select top-NUM_NEGATIVES highest-scoring purchased negatives (hard negative mining).
    # torch.topk(neg_scores, k=num_to_select, largest=True) -> jax.lax.top_k
    _, top_idx = jax.lax.top_k(neg_scores, NUM_NEGATIVES)
    # Sampler returns indices; RankerLoss gathers the sampled negative scores.
    sampled_neg = jnp.take(neg_scores, top_idx)
    # Pairwise ranking (BPR-style) loss: every positive should outscore every sampled negative.
    diff = pos_scores[:, None] - sampled_neg[None, :]
    loss = -jnp.mean(jax.nn.log_sigmoid(diff))
    return loss

if __name__ == "__main__":
    import jax
    _d = setup_inputs()
    print(jax.jit(kernel)(*tuple(_d.values())))

</pallas_src>

<mosaic_0001>
#map = affine_map<(d0, d1) -> (0)>
#map1 = affine_map<(d0, d1) -> (0, 0)>
module attributes {stable_mosaic.version = 14 : i64} {
  func.func @_sc_hist_body(%arg0: i32, %arg1: i32, %arg2: memref<1000000xf32, #tpu.memory_space<hbm>>, %arg3: memref<32x16384xi32, #tpu.memory_space<hbm>>, %arg4: memref<31312xf32, #tpu.memory_space<vmem>>, %arg5: memref<16384xi32, #tpu.memory_space<vmem>>) attributes {dimension_semantics = [#tpu.dimension_semantics<core_parallel>, #tpu.dimension_semantics<subcore_parallel>], iteration_bounds = array<i64: 2, 16>, scalar_prefetch = 0 : i64, scratch_operands = 2 : i64, tpu.core_type = #tpu.core_type<sc_vector_subcore>, window_params = [{transform_indices = #map}, {transform_indices = #map1}]} {
    %mul3A = arith.constant 2 : i32
    %mul3A_0 = arith.muli %arg1, %mul3A : i32
    %add3A = arith.addi %mul3A_0, %arg0 : i32
    %mul3A_1 = arith.constant 31248 : i32
    %mul3A_2 = arith.muli %add3A, %mul3A_1 : i32
    "tpu.region"() ({
      %run_scoped3A = tpu.sem_alloc : memref<!tpu.dma_semaphore, #tpu.memory_space<semaphore_mem>>
      %dma_start3A = tpu.memref_slice %arg2[%mul3A_2] : memref<1000000xf32, #tpu.memory_space<hbm>> -> memref<31312xf32, #tpu.memory_space<hbm>>
      %dma_start3A_13 = tpu.memref_slice %arg2[%mul3A_2] : memref<1000000xf32, #tpu.memory_space<hbm>> -> memref<31312xf32, #tpu.memory_space<hbm>>
      tpu.enqueue_dma source(%dma_start3A_13 : memref<31312xf32, #tpu.memory_space<hbm>>) target(%arg4 : memref<31312xf32, #tpu.memory_space<vmem>>) target_semaphore(%run_scoped3A : memref<!tpu.dma_semaphore, #tpu.memory_space<semaphore_mem>>)
      %dma_wait3A = tpu.memref_slice %arg2[%mul3A_2] : memref<1000000xf32, #tpu.memory_space<hbm>> -> memref<31312xf32, #tpu.memory_space<hbm>>
      %dma_wait3A_14 = tpu.memref_slice %arg2[%mul3A_2] : memref<1000000xf32, #tpu.memory_space<hbm>> -> memref<31312xf32, #tpu.memory_space<hbm>>
      tpu.wait_dma2 semaphore(%run_scoped3A : memref<!tpu.dma_semaphore, #tpu.memory_space<semaphore_mem>>) src(%dma_wait3A_14 : memref<31312xf32, #tpu.memory_space<hbm>>) dst(%arg4 : memref<31312xf32, #tpu.memory_space<vmem>>)
      tpu.yield
    }) : () -> ()
    %broadcast_in_dim3A = arith.constant 0 : i32
    %broadcast_in_dim3A_3 = vector.broadcast %broadcast_in_dim3A : i32 to vector<16xi32>
    %parallel_loop3A = arith.constant 0 : i32
    %parallel_loop3A_4 = arith.constant 1024 : i32
    %parallel_loop3A_5 = arith.constant 1 : i32
    scf.for %parallel_loop3A_13 = %parallel_loop3A to %parallel_loop3A_4 step %parallel_loop3A_5  : i32 {
      %parallel_loop3A_14 = arith.constant 16 : i32
      %parallel_loop3A_15 = arith.muli %parallel_loop3A_13, %parallel_loop3A_14 : i32
      %parallel_loop3A_16 = arith.index_cast %parallel_loop3A_15 : i32 to index
      %parallel_loop3A_17 = tpu.vector_load %arg5[%parallel_loop3A_16] {strides = array<i32>} : memref<16384xi32, #tpu.memory_space<vmem>>, vector<16xi32>,
      tpu.vector_store %arg5[%parallel_loop3A_16], %broadcast_in_dim3A_3 {strides = array<i32>} : memref<16384xi32, #tpu.memory_space<vmem>>, vector<16xi32>,
    } {sc.loop_unroll_factor = 16 : i64, sc.parallel_access}
    %broadcast_in_dim3A_6 = arith.constant 1 : i32
    %broadcast_in_dim3A_7 = vector.broadcast %broadcast_in_dim3A_6 : i32 to vector<16xi32>
    %parallel_loop3A_8 = arith.constant 0 : i32
    %parallel_loop3A_9 = arith.constant 1953 : i32
    %parallel_loop3A_10 = arith.constant 1 : i32
    scf.for %parallel_loop3A_13 = %parallel_loop3A_8 to %parallel_loop3A_9 step %parallel_loop3A_10  : i32 {
      %parallel_loop3A_14 = arith.constant 16 : i32
      %parallel_loop3A_15 = arith.muli %parallel_loop3A_13, %parallel_loop3A_14 : i32
      %parallel_loop3A_16 = arith.index_cast %parallel_loop3A_15 : i32 to index
      %parallel_loop3A_17 = tpu.vector_load %arg4[%parallel_loop3A_16] {strides = array<i32>} : memref<31312xf32, #tpu.memory_space<vmem>>, vector<16xf32>,
      %parallel_loop3A_18 = tpu.bitcast %parallel_loop3A_17 : vector<16xf32> -> vector<16xi32>
      %parallel_loop3A_19 = arith.constant 31 : i32
      %parallel_loop3A_20 = vector.broadcast %parallel_loop3A_19 : i32 to vector<16xi32>
      %parallel_loop3A_21 = arith.shrui %parallel_loop3A_18, %parallel_loop3A_20 : vector<16xi32>
      %parallel_loop3A_22 = arith.constant 1 : i32
      %parallel_loop3A_23 = vector.broadcast %parallel_loop3A_22 : i32 to vector<16xi32>
      %parallel_loop3A_24 = arith.cmpi eq, %parallel_loop3A_21, %parallel_loop3A_23 : vector<16xi32>
      %parallel_loop3A_25 = arith.constant dense<-1> : vector<16xi32>
      %parallel_loop3A_26 = arith.xori %parallel_loop3A_18, %parallel_loop3A_25 : vector<16xi32>
      %parallel_loop3A_27 = arith.constant -2147483648 : i32
      %parallel_loop3A_28 = vector.broadcast %parallel_loop3A_27 : i32 to vector<16xi32>
      %parallel_loop3A_29 = arith.ori %parallel_loop3A_18, %parallel_loop3A_28 : vector<16xi32>
      %parallel_loop3A_30 = arith.select %parallel_loop3A_24, %parallel_loop3A_26, %parallel_loop3A_29 : vector<16xi1>, vector<16xi32>
      %parallel_loop3A_31 = arith.constant 18 : i32
      %parallel_loop3A_32 = vector.broadcast %parallel_loop3A_31 : i32 to vector<16xi32>
      %parallel_loop3A_33 = arith.shrui %parallel_loop3A_30, %parallel_loop3A_32 : vector<16xi32>
      tpu.vector_store_idx %arg5[%parallel_loop3A_33], %broadcast_in_dim3A_7 {add = true} : memref<16384xi32, #tpu.memory_space<vmem>>[vector<16xi32>], vector<16xi32>,
    } {sc.loop_unroll_factor = 16 : i64, sc.parallel_access}
    %eq3A = arith.constant 31 : i32
    %eq3A_11 = arith.cmpi eq, %add3A, %eq3A : i32
    %convert_element_type3A = arith.extui %eq3A_11 : i1 to i32
    %cond3A = arith.constant 0 : i32
    %cond3A_12 = arith.cmpi ne, %convert_element_type3A, %cond3A : i32
    scf.if %cond3A_12 {
      %get3A = arith.constant 31248 : index
      %get3A_13 = tpu.vector_load %arg4[%get3A] {strides = array<i32>} : memref<31312xf32, #tpu.memory_space<vmem>>, vector<16xf32>,
      %bitcast_convert_type3A = tpu.bitcast %get3A_13 : vector<16xf32> -> vector<16xi32>
      %shift_right_logical3A = arith.constant 31 : i32
      %shift_right_logical3A_14 = vector.broadcast %shift_right_logical3A : i32 to vector<16xi32>
      %shift_right_logical3A_15 = arith.shrui %bitcast_convert_type3A, %shift_right_logical3A_14 : vector<16xi32>
      %eq3A_16 = arith.constant 1 : i32
      %eq3A_17 = vector.broadcast %eq3A_16 : i32 to vector<16xi32>
      %eq3A_18 = arith.cmpi eq, %shift_right_logical3A_15, %eq3A_17 : vector<16xi32>
      %not3A = arith.constant dense<-1> : vector<16xi32>
      %not3A_19 = arith.xori %bitcast_convert_type3A, %not3A : vector<16xi32>
      %or3A = arith.constant -2147483648 : i32
      %or3A_20 = vector.broadcast %or3A : i32 to vector<16xi32>
      %or3A_21 = arith.ori %bitcast_convert_type3A, %or3A_20 : vector<16xi32>
      %select_n3A = arith.select %eq3A_18, %not3A_19, %or3A_21 : vector<16xi1>, vector<16xi32>
      %shift_right_logical3A_22 = arith.constant 18 : i32
      %shift_right_logical3A_23 = vector.broadcast %shift_right_logical3A_22 : i32 to vector<16xi32>
      %shift_right_logical3A_24 = arith.shrui %select_n3A, %shift_right_logical3A_23 : vector<16xi32>
      tpu.vector_store_idx %arg5[%shift_right_logical3A_24], %broadcast_in_dim3A_7 {add = true} : memref<16384xi32, #tpu.memory_space<vmem>>[vector<16xi32>], vector<16xi32>,
      %get3A_25 = arith.constant 31264 : index
      %get3A_26 = tpu.vector_load %arg4[%get3A_25] {strides = array<i32>} : memref<31312xf32, #tpu.memory_space<vmem>>, vector<16xf32>,
      %bitcast_convert_type3A_27 = tpu.bitcast %get3A_26 : vector<16xf32> -> vector<16xi32>
      %shift_right_logical3A_28 = arith.constant 31 : i32
      %shift_right_logical3A_29 = vector.broadcast %shift_right_logical3A_28 : i32 to vector<16xi32>
      %shift_right_logical3A_30 = arith.shrui %bitcast_convert_type3A_27, %shift_right_logical3A_29 : vector<16xi32>
      %eq3A_31 = arith.constant 1 : i32
      %eq3A_32 = vector.broadcast %eq3A_31 : i32 to vector<16xi32>
      %eq3A_33 = arith.cmpi eq, %shift_right_logical3A_30, %eq3A_32 : vector<16xi32>
      %not3A_34 = arith.constant dense<-1> : vector<16xi32>
      %not3A_35 = arith.xori %bitcast_convert_type3A_27, %not3A_34 : vector<16xi32>
      %or3A_36 = arith.constant -2147483648 : i32
      %or3A_37 = vector.broadcast %or3A_36 : i32 to vector<16xi32>
      %or3A_38 = arith.ori %bitcast_convert_type3A_27, %or3A_37 : vector<16xi32>
      %select_n3A_39 = arith.select %eq3A_33, %not3A_35, %or3A_38 : vector<16xi1>, vector<16xi32>
      %shift_right_logical3A_40 = arith.constant 18 : i32
      %shift_right_logical3A_41 = vector.broadcast %shift_right_logical3A_40 : i32 to vector<16xi32>
      %shift_right_logical3A_42 = arith.shrui %select_n3A_39, %shift_right_logical3A_41 : vector<16xi32>
      tpu.vector_store_idx %arg5[%shift_right_logical3A_42], %broadcast_in_dim3A_7 {add = true} : memref<16384xi32, #tpu.memory_space<vmem>>[vector<16xi32>], vector<16xi32>,
      %get3A_43 = arith.constant 31280 : index
      %get3A_44 = tpu.vector_load %arg4[%get3A_43] {strides = array<i32>} : memref<31312xf32, #tpu.memory_space<vmem>>, vector<16xf32>,
      %bitcast_convert_type3A_45 = tpu.bitcast %get3A_44 : vector<16xf32> -> vector<16xi32>
      %shift_right_logical3A_46 = arith.constant 31 : i32
      %shift_right_logical3A_47 = vector.broadcast %shift_right_logical3A_46 : i32 to vector<16xi32>
      %shift_right_logical3A_48 = arith.shrui %bitcast_convert_type3A_45, %shift_right_logical3A_47 : vector<16xi32>
      %eq3A_49 = arith.constant 1 : i32
      %eq3A_50 = vector.broadcast %eq3A_49 : i32 to vector<16xi32>
      %eq3A_51 = arith.cmpi eq, %shift_right_logical3A_48, %eq3A_50 : vector<16xi32>
      %not3A_52 = arith.constant dense<-1> : vector<16xi32>
      %not3A_53 = arith.xori %bitcast_convert_type3A_45, %not3A_52 : vector<16xi32>
      %or3A_54 = arith.constant -2147483648 : i32
      %or3A_55 = vector.broadcast %or3A_54 : i32 to vector<16xi32>
      %or3A_56 = arith.ori %bitcast_convert_type3A_45, %or3A_55 : vector<16xi32>
      %select_n3A_57 = arith.select %eq3A_51, %not3A_53, %or3A_56 : vector<16xi1>, vector<16xi32>
      %shift_right_logical3A_58 = arith.constant 18 : i32
      %shift_right_logical3A_59 = vector.broadcast %shift_right_logical3A_58 : i32 to vector<16xi32>
      %shift_right_logical3A_60 = arith.shrui %select_n3A_57, %shift_right_logical3A_59 : vector<16xi32>
      tpu.vector_store_idx %arg5[%shift_right_logical3A_60], %broadcast_in_dim3A_7 {add = true} : memref<16384xi32, #tpu.memory_space<vmem>>[vector<16xi32>], vector<16xi32>,
      %get3A_61 = arith.constant 31296 : index
      %get3A_62 = tpu.vector_load %arg4[%get3A_61] {strides = array<i32>} : memref<31312xf32, #tpu.memory_space<vmem>>, vector<16xf32>,
      %bitcast_convert_type3A_63 = tpu.bitcast %get3A_62 : vector<16xf32> -> vector<16xi32>
      %shift_right_logical3A_64 = arith.constant 31 : i32
      %shift_right_logical3A_65 = vector.broadcast %shift_right_logical3A_64 : i32 to vector<16xi32>
      %shift_right_logical3A_66 = arith.shrui %bitcast_convert_type3A_63, %shift_right_logical3A_65 : vector<16xi32>
      %eq3A_67 = arith.constant 1 : i32
      %eq3A_68 = vector.broadcast %eq3A_67 : i32 to vector<16xi32>
      %eq3A_69 = arith.cmpi eq, %shift_right_logical3A_66, %eq3A_68 : vector<16xi32>
      %not3A_70 = arith.constant dense<-1> : vector<16xi32>
      %not3A_71 = arith.xori %bitcast_convert_type3A_63, %not3A_70 : vector<16xi32>
      %or3A_72 = arith.constant -2147483648 : i32
      %or3A_73 = vector.broadcast %or3A_72 : i32 to vector<16xi32>
      %or3A_74 = arith.ori %bitcast_convert_type3A_63, %or3A_73 : vector<16xi32>
      %select_n3A_75 = arith.select %eq3A_69, %not3A_71, %or3A_74 : vector<16xi1>, vector<16xi32>
      %shift_right_logical3A_76 = arith.constant 18 : i32
      %shift_right_logical3A_77 = vector.broadcast %shift_right_logical3A_76 : i32 to vector<16xi32>
      %shift_right_logical3A_78 = arith.shrui %select_n3A_75, %shift_right_logical3A_77 : vector<16xi32>
      tpu.vector_store_idx %arg5[%shift_right_logical3A_78], %broadcast_in_dim3A_7 {add = true} : memref<16384xi32, #tpu.memory_space<vmem>>[vector<16xi32>], vector<16xi32>,
    } else {
    }
    "tpu.region"() ({
      %run_scoped3A = tpu.sem_alloc : memref<!tpu.dma_semaphore, #tpu.memory_space<semaphore_mem>>
      %dma_start3A = arith.constant 0 : i32
      %dma_start3A_13 = tpu.memref_slice %arg3[%add3A, %dma_start3A] : memref<32x16384xi32, #tpu.memory_space<hbm>> -> memref<1x16384xi32, #tpu.memory_space<hbm>>
      %dma_start3A_14 = tpu.memref_squeeze %dma_start3A_13 : memref<1x16384xi32, #tpu.memory_space<hbm>> -> memref<16384xi32, #tpu.memory_space<hbm>>
      %dma_start3A_15 = arith.constant 0 : i32
      %dma_start3A_16 = tpu.memref_slice %arg3[%add3A, %dma_start3A_15] : memref<32x16384xi32, #tpu.memory_space<hbm>> -> memref<1x16384xi32, #tpu.memory_space<hbm>>
      %dma_start3A_17 = tpu.memref_squeeze %dma_start3A_16 : memref<1x16384xi32, #tpu.memory_space<hbm>> -> memref<16384xi32, #tpu.memory_space<hbm>>
      tpu.enqueue_dma source(%arg5 : memref<16384xi32, #tpu.memory_space<vmem>>) target(%dma_start3A_17 : memref<16384xi32, #tpu.memory_space<hbm>>) target_semaphore(%run_scoped3A : memref<!tpu.dma_semaphore, #tpu.memory_space<semaphore_mem>>)
      %dma_wait3A = arith.constant 0 : i32
      %dma_wait3A_18 = tpu.memref_slice %arg3[%add3A, %dma_wait3A] : memref<32x16384xi32, #tpu.memory_space<hbm>> -> memref<1x16384xi32, #tpu.memory_space<hbm>>
      %dma_wait3A_19 = tpu.memref_squeeze %dma_wait3A_18 : memref<1x16384xi32, #tpu.memory_space<hbm>> -> memref<16384xi32, #tpu.memory_space<hbm>>
      %dma_wait3A_20 = arith.constant 0 : i32
      %dma_wait3A_21 = tpu.memref_slice %arg3[%add3A, %dma_wait3A_20] : memref<32x16384xi32, #tpu.memory_space<hbm>> -> memref<1x16384xi32, #tpu.memory_space<hbm>>
      %dma_wait3A_22 = tpu.memref_squeeze %dma_wait3A_21 : memref<1x16384xi32, #tpu.memory_space<hbm>> -> memref<16384xi32, #tpu.memory_space<hbm>>
      tpu.wait_dma2 semaphore(%run_scoped3A : memref<!tpu.dma_semaphore, #tpu.memory_space<semaphore_mem>>) src(%arg5 : memref<16384xi32, #tpu.memory_space<vmem>>) dst(%dma_wait3A_22 : memref<16384xi32, #tpu.memory_space<hbm>>)
      tpu.yield
    }) : () -> ()
    return
  }
}

module attributes {stable_mosaic.version = 14 : i64} {
  func.func @_tc_body(%arg0: memref<32x128xf32, #tpu.memory_space<vmem>>, %arg1: memref<7840x128xf32, #tpu.memory_space<vmem>>, %arg2: memref<32x128x128xi32, #tpu.memory_space<vmem>>, %arg3: memref<1x1xf32, #tpu.memory_space<smem>>) attributes {dimension_semantics = [], scalar_prefetch = 0 : i64, scratch_operands = 0 : i64, tpu.core_type = #tpu.core_type<tc>} {
    %get3A = arith.constant 0 : index
    %get3A_0 = arith.constant 0 : index
    %get3A_1 = arith.constant 0 : index
    %get3A_2 = vector.load %arg2[%get3A, %get3A_0, %get3A_1] : memref<32x128x128xi32, #tpu.memory_space<vmem>>, vector<32x128x128xi32>
    %convert_element_type3A = arith.sitofp %get3A_2 : vector<32x128x128xi32> to vector<32x128x128xf32>
    %reduce_sum3A = arith.constant dense<0.000000e+00> : vector<128x128xf32>
    %reduce_sum3A_3 = vector.multi_reduction <add>, %convert_element_type3A, %reduce_sum3A [0] : vector<32x128x128xf32> to vector<128x128xf32>
    %iota3A = tpu.iota {dimensions = array<i32: 0>} : vector<128x128xi32>
    %iota3A_4 = tpu.iota {dimensions = array<i32: 1>} : vector<128x128xi32>
    %gt3A = arith.cmpi sgt, %iota3A_4, %iota3A : vector<128x128xi32>
    %convert_element_type3A_5 = arith.extui %gt3A : vector<128x128xi1> to vector<128x128xi32>
    %convert_element_type3A_6 = arith.sitofp %convert_element_type3A_5 : vector<128x128xi32> to vector<128x128xf32>
    %iota3A_7 = tpu.iota {dimensions = array<i32: 0>} : vector<128x128xi32>
    %iota3A_8 = tpu.iota {dimensions = array<i32: 1>} : vector<128x128xi32>
    %ge3A = arith.cmpi sge, %iota3A_7, %iota3A_8 : vector<128x128xi32>
    %convert_element_type3A_9 = arith.extui %ge3A : vector<128x128xi1> to vector<128x128xi32>
    %convert_element_type3A_10 = arith.sitofp %convert_element_type3A_9 : vector<128x128xi32> to vector<128x128xf32>
    %reduce_sum3A_11 = arith.constant dense<0.000000e+00> : vector<128xf32>
    %reduce_sum3A_12 = vector.multi_reduction <add>, %reduce_sum3A_3, %reduce_sum3A_11 [1] : vector<128x128xf32> to vector<128xf32>
    %broadcast_in_dim3A = vector.shape_cast %reduce_sum3A_12 : vector<128xf32> to vector<128x1xf32>
    %dot_general3A = arith.constant dense<0.000000e+00> : vector<128x1xf32>
    %dot_general3A_13 = tpu.matmul %convert_element_type3A_6, %broadcast_in_dim3A, %dot_general3A {dimension_numbers = #tpu.dot_dimension_numbers<[1], [0], [0], [1], [0, 0, 1, 1], [], []>, transpose_lhs_hint = false} : vector<128x128xf32>, vector<128x1xf32>, vector<128x1xf32> -> vector<128x1xf32>
    %dot_general3A_14 = arith.constant dense<0.000000e+00> : vector<128x128xf32>
    %dot_general3A_15 = tpu.matmul %reduce_sum3A_3, %convert_element_type3A_10, %dot_general3A_14 {dimension_numbers = #tpu.dot_dimension_numbers<[1], [0], [0], [1], [0, 0, 1, 1], [], []>, transpose_lhs_hint = false} : vector<128x128xf32>, vector<128x128xf32>, vector<128x128xf32> -> vector<128x128xf32>
    %add3A = vector.broadcast %dot_general3A_13 : vector<128x1xf32> to vector<128x128xf32>
    %add3A_16 = arith.addf %dot_general3A_15, %add3A : vector<128x128xf32>
    %iota3A_17 = tpu.iota {dimensions = array<i32: 0>} : vector<128x128xi32>
    %iota3A_18 = tpu.iota {dimensions = array<i32: 1>} : vector<128x128xi32>
    %mul3A = arith.constant 128 : i32
    %mul3A_19 = vector.broadcast %mul3A : i32 to vector<128x128xi32>
    %mul3A_20 = arith.muli %iota3A_17, %mul3A_19 : vector<128x128xi32>
    %add3A_21 = arith.addi %mul3A_20, %iota3A_18 : vector<128x128xi32>
    %ge3A_22 = arith.constant 8.192000e+03 : f32
    %ge3A_23 = vector.broadcast %ge3A_22 : f32 to vector<128x128xf32>
    %ge3A_24 = arith.cmpf oge, %add3A_16, %ge3A_23 : vector<128x128xf32>
    %jit3A = arith.constant -1 : i32
    %broadcast_in_dim3A_25 = vector.broadcast %jit3A : i32 to vector<128x128xi32>
    %select_n3A = arith.select %ge3A_24, %add3A_21, %broadcast_in_dim3A_25 : vector<128x128xi1>, vector<128x128xi32>
    %reduce_max3A = vector.shape_cast %select_n3A : vector<128x128xi32> to vector<1x128x128xi32>
    %reduce_max3A_26 = arith.constant dense<-2147483648> : vector<1xi32>
    %reduce_max3A_27 = vector.multi_reduction <maxsi>, %reduce_max3A, %reduce_max3A_26 [1, 2] : vector<1x128x128xi32> to vector<1xi32>
    %reduce_max3A_28 = vector.shape_cast %reduce_max3A_27 : vector<1xi32> to vector<1x1x1xi32>
    %reduce_max3A_29 = vector.extract %reduce_max3A_28[0, 0, 0] : i32 from vector<1x1x1xi32>
    %shift_left3A = arith.constant 18 : i32
    %shift_left3A_30 = arith.shli %reduce_max3A_29, %shift_left3A : i32
    %shift_right_logical3A = arith.constant 31 : i32
    %shift_right_logical3A_31 = arith.shrui %shift_left3A_30, %shift_right_logical3A : i32
    %eq3A = arith.constant 1 : i32
    %eq3A_32 = arith.cmpi eq, %shift_right_logical3A_31, %eq3A : i32
    %xor3A = arith.constant -2147483648 : i32
    %xor3A_33 = arith.xori %shift_left3A_30, %xor3A : i32
    %not3A = arith.constant -1 : i32
    %not3A_34 = arith.xori %shift_left3A_30, %not3A : i32
    %select_n3A_35 = arith.select %eq3A_32, %xor3A_33, %not3A_34 : i32
    %bitcast_convert_type3A = arith.bitcast %select_n3A_35 : i32 to f32
    %get3A_36 = arith.constant 0 : index
    %get3A_37 = arith.constant 0 : index
    %get3A_38 = vector.load %arg1[%get3A_36, %get3A_37] : memref<7840x128xf32, #tpu.memory_space<vmem>>, vector<7840x128xf32>
    %reduce_max3A_39 = vector.shape_cast %get3A_38 : vector<7840x128xf32> to vector<1x7840x128xf32>
    %reduce_max3A_40 = arith.constant dense<0xFF800000> : vector<1xf32>
    %reduce_max3A_41 = vector.multi_reduction <maximumf>, %reduce_max3A_39, %reduce_max3A_40 [1, 2] : vector<1x7840x128xf32> to vector<1xf32>
    %reduce_max3A_42 = vector.shape_cast %reduce_max3A_41 : vector<1xf32> to vector<1x1x1xf32>
    %reduce_max3A_43 = vector.extract %reduce_max3A_42[0, 0, 0] : f32 from vector<1x1x1xf32>
    %add3A_44 = arith.addf %bitcast_convert_type3A, %reduce_max3A_43 : f32
    %mul3A_45 = arith.constant 5.000000e-01 : f32
    %mul3A_46 = arith.mulf %add3A_44, %mul3A_45 : f32
    %add3A_47 = arith.constant 5.000000e-04 : f32
    %add3A_48 = arith.addf %mul3A_46, %add3A_47 : f32
    %sub3A = arith.subf %reduce_max3A_43, %bitcast_convert_type3A : f32
    %mul3A_49 = arith.constant 5.000000e-01 : f32
    %mul3A_50 = arith.mulf %sub3A, %mul3A_49 : f32
    %add3A_51 = arith.constant 1.000000e-03 : f32
    %add3A_52 = arith.addf %mul3A_50, %add3A_51 : f32
    %get3A_53 = arith.constant 0 : index
    %get3A_54 = arith.constant 0 : index
    %get3A_55 = vector.load %arg0[%get3A_53, %get3A_54] : memref<32x128xf32, #tpu.memory_space<vmem>>, vector<32x128xf32>
    %mul3A_56 = arith.constant 0.965925812 : f32
    %mul3A_57 = arith.mulf %add3A_52, %mul3A_56 : f32
    %add3A_58 = arith.addf %add3A_48, %mul3A_57 : f32
    %sub3A_59 = vector.broadcast %add3A_58 : f32 to vector<32x128xf32>
    %sub3A_60 = arith.subf %sub3A_59, %get3A_55 : vector<32x128xf32>
    %max3A = arith.constant 0.000000e+00 : f32
    %max3A_61 = vector.broadcast %max3A : f32 to vector<32x128xf32>
    %max3A_62 = arith.maximumf %sub3A_60, %max3A_61 : vector<32x128xf32>
    %abs3A = math.absf %sub3A_60 : vector<32x128xf32>
    %neg3A = arith.constant 0.000000e+00 : f32
    %neg3A_63 = vector.broadcast %neg3A : f32 to vector<32x128xf32>
    %neg3A_64 = arith.subf %neg3A_63, %abs3A : vector<32x128xf32>
    %exp3A = math.exp %neg3A_64 : vector<32x128xf32>
    %add3A_65 = arith.constant 1.000000e+00 : f32
    %add3A_66 = vector.broadcast %add3A_65 : f32 to vector<32x128xf32>
    %add3A_67 = arith.addf %add3A_66, %exp3A : vector<32x128xf32>
    %log3A = math.log %add3A_67 : vector<32x128xf32>
    %add3A_68 = arith.addf %max3A_62, %log3A : vector<32x128xf32>
    %reduce_sum3A_69 = vector.shape_cast %add3A_68 : vector<32x128xf32> to vector<1x32x128xf32>
    %reduce_sum3A_70 = arith.constant dense<0.000000e+00> : vector<1xf32>
    %reduce_sum3A_71 = vector.multi_reduction <add>, %reduce_sum3A_69, %reduce_sum3A_70 [1, 2] : vector<1x32x128xf32> to vector<1xf32>
    %reduce_sum3A_72 = vector.shape_cast %reduce_sum3A_71 : vector<1xf32> to vector<1x1x1xf32>
    %reduce_sum3A_73 = vector.extract %reduce_sum3A_72[0, 0, 0] : f32 from vector<1x1x1xf32>
    %mul3A_74 = arith.constant 0.707106769 : f32
    %mul3A_75 = arith.mulf %add3A_52, %mul3A_74 : f32
    %add3A_76 = arith.addf %add3A_48, %mul3A_75 : f32
    %sub3A_77 = vector.broadcast %add3A_76 : f32 to vector<32x128xf32>
    %sub3A_78 = arith.subf %sub3A_77, %get3A_55 : vector<32x128xf32>
    %max3A_79 = arith.constant 0.000000e+00 : f32
    %max3A_80 = vector.broadcast %max3A_79 : f32 to vector<32x128xf32>
    %max3A_81 = arith.maximumf %sub3A_78, %max3A_80 : vector<32x128xf32>
    %abs3A_82 = math.absf %sub3A_78 : vector<32x128xf32>
    %neg3A_83 = arith.constant 0.000000e+00 : f32
    %neg3A_84 = vector.broadcast %neg3A_83 : f32 to vector<32x128xf32>
    %neg3A_85 = arith.subf %neg3A_84, %abs3A_82 : vector<32x128xf32>
    %exp3A_86 = math.exp %neg3A_85 : vector<32x128xf32>
    %add3A_87 = arith.constant 1.000000e+00 : f32
    %add3A_88 = vector.broadcast %add3A_87 : f32 to vector<32x128xf32>
    %add3A_89 = arith.addf %add3A_88, %exp3A_86 : vector<32x128xf32>
    %log3A_90 = math.log %add3A_89 : vector<32x128xf32>
    %add3A_91 = arith.addf %max3A_81, %log3A_90 : vector<32x128xf32>
    %reduce_sum3A_92 = vector.shape_cast %add3A_91 : vector<32x128xf32> to vector<1x32x128xf32>
    %reduce_sum3A_93 = arith.constant dense<0.000000e+00> : vector<1xf32>
    %reduce_sum3A_94 = vector.multi_reduction <add>, %reduce_sum3A_92, %reduce_sum3A_93 [1, 2] : vector<1x32x128xf32> to vector<1xf32>
    %reduce_sum3A_95 = vector.shape_cast %reduce_sum3A_94 : vector<1xf32> to vector<1x1x1xf32>
    %reduce_sum3A_96 = vector.extract %reduce_sum3A_95[0, 0, 0] : f32 from vector<1x1x1xf32>
    %mul3A_97 = arith.constant 0.258819044 : f32
    %mul3A_98 = arith.mulf %add3A_52, %mul3A_97 : f32
    %add3A_99 = arith.addf %add3A_48, %mul3A_98 : f32
    %sub3A_100 = vector.broadcast %add3A_99 : f32 to vector<32x128xf32>
    %sub3A_101 = arith.subf %sub3A_100, %get3A_55 : vector<32x128xf32>
    %max3A_102 = arith.constant 0.000000e+00 : f32
    %max3A_103 = vector.broadcast %max3A_102 : f32 to vector<32x128xf32>
    %max3A_104 = arith.maximumf %sub3A_101, %max3A_103 : vector<32x128xf32>
    %abs3A_105 = math.absf %sub3A_101 : vector<32x128xf32>
    %neg3A_106 = arith.constant 0.000000e+00 : f32
    %neg3A_107 = vector.broadcast %neg3A_106 : f32 to vector<32x128xf32>
    %neg3A_108 = arith.subf %neg3A_107, %abs3A_105 : vector<32x128xf32>
    %exp3A_109 = math.exp %neg3A_108 : vector<32x128xf32>
    %add3A_110 = arith.constant 1.000000e+00 : f32
    %add3A_111 = vector.broadcast %add3A_110 : f32 to vector<32x128xf32>
    %add3A_112 = arith.addf %add3A_111, %exp3A_109 : vector<32x128xf32>
    %log3A_113 = math.log %add3A_112 : vector<32x128xf32>
    %add3A_114 = arith.addf %max3A_104, %log3A_113 : vector<32x128xf32>
    %reduce_sum3A_115 = vector.shape_cast %add3A_114 : vector<32x128xf32> to vector<1x32x128xf32>
    %reduce_sum3A_116 = arith.constant dense<0.000000e+00> : vector<1xf32>
    %reduce_sum3A_117 = vector.multi_reduction <add>, %reduce_sum3A_115, %reduce_sum3A_116 [1, 2] : vector<1x32x128xf32> to vector<1xf32>
    %reduce_sum3A_118 = vector.shape_cast %reduce_sum3A_117 : vector<1xf32> to vector<1x1x1xf32>
    %reduce_sum3A_119 = vector.extract %reduce_sum3A_118[0, 0, 0] : f32 from vector<1x1x1xf32>
    %mul3A_120 = arith.constant -0.258819044 : f32
    %mul3A_121 = arith.mulf %add3A_52, %mul3A_120 : f32
    %add3A_122 = arith.addf %add3A_48, %mul3A_121 : f32
    %sub3A_123 = vector.broadcast %add3A_122 : f32 to vector<32x128xf32>
    %sub3A_124 = arith.subf %sub3A_123, %get3A_55 : vector<32x128xf32>
    %max3A_125 = arith.constant 0.000000e+00 : f32
    %max3A_126 = vector.broadcast %max3A_125 : f32 to vector<32x128xf32>
    %max3A_127 = arith.maximumf %sub3A_124, %max3A_126 : vector<32x128xf32>
    %abs3A_128 = math.absf %sub3A_124 : vector<32x128xf32>
    %neg3A_129 = arith.constant 0.000000e+00 : f32
    %neg3A_130 = vector.broadcast %neg3A_129 : f32 to vector<32x128xf32>
    %neg3A_131 = arith.subf %neg3A_130, %abs3A_128 : vector<32x128xf32>
    %exp3A_132 = math.exp %neg3A_131 : vector<32x128xf32>
    %add3A_133 = arith.constant 1.000000e+00 : f32
    %add3A_134 = vector.broadcast %add3A_133 : f32 to vector<32x128xf32>
    %add3A_135 = arith.addf %add3A_134, %exp3A_132 : vector<32x128xf32>
    %log3A_136 = math.log %add3A_135 : vector<32x128xf32>
    %add3A_137 = arith.addf %max3A_127, %log3A_136 : vector<32x128xf32>
    %reduce_sum3A_138 = vector.shape_cast %add3A_137 : vector<32x128xf32> to vector<1x32x128xf32>
    %reduce_sum3A_139 = arith.constant dense<0.000000e+00> : vector<1xf32>
    %reduce_sum3A_140 = vector.multi_reduction <add>, %reduce_sum3A_138, %reduce_sum3A_139 [1, 2] : vector<1x32x128xf32> to vector<1xf32>
    %reduce_sum3A_141 = vector.shape_cast %reduce_sum3A_140 : vector<1xf32> to vector<1x1x1xf32>
    %reduce_sum3A_142 = vector.extract %reduce_sum3A_141[0, 0, 0] : f32 from vector<1x1x1xf32>
    %mul3A_143 = arith.constant -0.707106769 : f32
    %mul3A_144 = arith.mulf %add3A_52, %mul3A_143 : f32
    %add3A_145 = arith.addf %add3A_48, %mul3A_144 : f32
    %sub3A_146 = vector.broadcast %add3A_145 : f32 to vector<32x128xf32>
    %sub3A_147 = arith.subf %sub3A_146, %get3A_55 : vector<32x128xf32>
    %max3A_148 = arith.constant 0.000000e+00 : f32
    %max3A_149 = vector.broadcast %max3A_148 : f32 to vector<32x128xf32>
    %max3A_150 = arith.maximumf %sub3A_147, %max3A_149 : vector<32x128xf32>
    %abs3A_151 = math.absf %sub3A_147 : vector<32x128xf32>
    %neg3A_152 = arith.constant 0.000000e+00 : f32
    %neg3A_153 = vector.broadcast %neg3A_152 : f32 to vector<32x128xf32>
    %neg3A_154 = arith.subf %neg3A_153, %abs3A_151 : vector<32x128xf32>
    %exp3A_155 = math.exp %neg3A_154 : vector<32x128xf32>
    %add3A_156 = arith.constant 1.000000e+00 : f32
    %add3A_157 = vector.broadcast %add3A_156 : f32 to vector<32x128xf32>
    %add3A_158 = arith.addf %add3A_157, %exp3A_155 : vector<32x128xf32>
    %log3A_159 = math.log %add3A_158 : vector<32x128xf32>
    %add3A_160 = arith.addf %max3A_150, %log3A_159 : vector<32x128xf32>
    %reduce_sum3A_161 = vector.shape_cast %add3A_160 : vector<32x128xf32> to vector<1x32x128xf32>
    %reduce_sum3A_162 = arith.constant dense<0.000000e+00> : vector<1xf32>
    %reduce_sum3A_163 = vector.multi_reduction <add>, %reduce_sum3A_161, %reduce_sum3A_162 [1, 2] : vector<1x32x128xf32> to vector<1xf32>
    %reduce_sum3A_164 = vector.shape_cast %reduce_sum3A_163 : vector<1xf32> to vector<1x1x1xf32>
    %reduce_sum3A_165 = vector.extract %reduce_sum3A_164[0, 0, 0] : f32 from vector<1x1x1xf32>
    %mul3A_166 = arith.constant -0.965925812 : f32
    %mul3A_167 = arith.mulf %add3A_52, %mul3A_166 : f32
    %add3A_168 = arith.addf %add3A_48, %mul3A_167 : f32
    %sub3A_169 = vector.broadcast %add3A_168 : f32 to vector<32x128xf32>
    %sub3A_170 = arith.subf %sub3A_169, %get3A_55 : vector<32x128xf32>
    %max3A_171 = arith.constant 0.000000e+00 : f32
    %max3A_172 = vector.broadcast %max3A_171 : f32 to vector<32x128xf32>
    %max3A_173 = arith.maximumf %sub3A_170, %max3A_172 : vector<32x128xf32>
    %abs3A_174 = math.absf %sub3A_170 : vector<32x128xf32>
    %neg3A_175 = arith.constant 0.000000e+00 : f32
    %neg3A_176 = vector.broadcast %neg3A_175 : f32 to vector<32x128xf32>
    %neg3A_177 = arith.subf %neg3A_176, %abs3A_174 : vector<32x128xf32>
    %exp3A_178 = math.exp %neg3A_177 : vector<32x128xf32>
    %add3A_179 = arith.constant 1.000000e+00 : f32
    %add3A_180 = vector.broadcast %add3A_179 : f32 to vector<32x128xf32>
    %add3A_181 = arith.addf %add3A_180, %exp3A_178 : vector<32x128xf32>
    %log3A_182 = math.log %add3A_181 : vector<32x128xf32>
    %add3A_183 = arith.addf %max3A_173, %log3A_182 : vector<32x128xf32>
    %reduce_sum3A_184 = vector.shape_cast %add3A_183 : vector<32x128xf32> to vector<1x32x128xf32>
    %reduce_sum3A_185 = arith.constant dense<0.000000e+00> : vector<1xf32>
    %reduce_sum3A_186 = vector.multi_reduction <add>, %reduce_sum3A_184, %reduce_sum3A_185 [1, 2] : vector<1x32x128xf32> to vector<1xf32>
    %reduce_sum3A_187 = vector.shape_cast %reduce_sum3A_186 : vector<1xf32> to vector<1x1x1xf32>
    %reduce_sum3A_188 = vector.extract %reduce_sum3A_187[0, 0, 0] : f32 from vector<1x1x1xf32>
    %sub3A_189 = vector.broadcast %bitcast_convert_type3A : f32 to vector<32x128xf32>
    %sub3A_190 = arith.subf %sub3A_189, %get3A_55 : vector<32x128xf32>
    %max3A_191 = arith.constant 0.000000e+00 : f32
    %max3A_192 = vector.broadcast %max3A_191 : f32 to vector<32x128xf32>
    %max3A_193 = arith.maximumf %sub3A_190, %max3A_192 : vector<32x128xf32>
    %abs3A_194 = math.absf %sub3A_190 : vector<32x128xf32>
    %neg3A_195 = arith.constant 0.000000e+00 : f32
    %neg3A_196 = vector.broadcast %neg3A_195 : f32 to vector<32x128xf32>
    %neg3A_197 = arith.subf %neg3A_196, %abs3A_194 : vector<32x128xf32>
    %exp3A_198 = math.exp %neg3A_197 : vector<32x128xf32>
    %add3A_199 = arith.constant 1.000000e+00 : f32
    %add3A_200 = vector.broadcast %add3A_199 : f32 to vector<32x128xf32>
    %add3A_201 = arith.addf %add3A_200, %exp3A_198 : vector<32x128xf32>
    %log3A_202 = math.log %add3A_201 : vector<32x128xf32>
    %add3A_203 = arith.addf %max3A_193, %log3A_202 : vector<32x128xf32>
    %reduce_sum3A_204 = vector.shape_cast %add3A_203 : vector<32x128xf32> to vector<1x32x128xf32>
    %reduce_sum3A_205 = arith.constant dense<0.000000e+00> : vector<1xf32>
    %reduce_sum3A_206 = vector.multi_reduction <add>, %reduce_sum3A_204, %reduce_sum3A_205 [1, 2] : vector<1x32x128xf32> to vector<1xf32>
    %reduce_sum3A_207 = vector.shape_cast %reduce_sum3A_206 : vector<1xf32> to vector<1x1x1xf32>
    %reduce_sum3A_208 = vector.extract %reduce_sum3A_207[0, 0, 0] : f32 from vector<1x1x1xf32>
    %mul3A_209 = arith.constant 0.333333343 : f32
    %mul3A_210 = arith.mulf %mul3A_209, %reduce_sum3A_73 : f32
    %add3A_211 = arith.constant 0.000000e+00 : f32
    %add3A_212 = arith.addf %add3A_211, %mul3A_210 : f32
    %mul3A_213 = arith.constant 0.333333343 : f32
    %mul3A_214 = arith.mulf %mul3A_213, %reduce_sum3A_96 : f32
    %add3A_215 = arith.addf %add3A_212, %mul3A_214 : f32
    %mul3A_216 = arith.constant 0.333333343 : f32
    %mul3A_217 = arith.mulf %mul3A_216, %reduce_sum3A_119 : f32
    %add3A_218 = arith.addf %add3A_215, %mul3A_217 : f32
    %mul3A_219 = arith.constant 0.333333343 : f32
    %mul3A_220 = arith.mulf %mul3A_219, %reduce_sum3A_142 : f32
    %add3A_221 = arith.addf %add3A_218, %mul3A_220 : f32
    %mul3A_222 = arith.constant 0.333333343 : f32
    %mul3A_223 = arith.mulf %mul3A_222, %reduce_sum3A_165 : f32
    %add3A_224 = arith.addf %add3A_221, %mul3A_223 : f32
    %mul3A_225 = arith.constant 0.333333343 : f32
    %mul3A_226 = arith.mulf %mul3A_225, %reduce_sum3A_188 : f32
    %add3A_227 = arith.addf %add3A_224, %mul3A_226 : f32
    %mul3A_228 = arith.constant 0.321975261 : f32
    %mul3A_229 = arith.mulf %mul3A_228, %reduce_sum3A_73 : f32
    %add3A_230 = arith.constant 0.000000e+00 : f32
    %add3A_231 = arith.addf %add3A_230, %mul3A_229 : f32
    %mul3A_232 = arith.constant 0.235702261 : f32
    %mul3A_233 = arith.mulf %mul3A_232, %reduce_sum3A_96 : f32
    %add3A_234 = arith.addf %add3A_231, %mul3A_233 : f32
    %mul3A_235 = arith.constant 0.0862730145 : f32
    %mul3A_236 = arith.mulf %mul3A_235, %reduce_sum3A_119 : f32
    %add3A_237 = arith.addf %add3A_234, %mul3A_236 : f32
    %mul3A_238 = arith.constant -0.0862730145 : f32
    %mul3A_239 = arith.mulf %mul3A_238, %reduce_sum3A_142 : f32
    %add3A_240 = arith.addf %add3A_237, %mul3A_239 : f32
    %mul3A_241 = arith.constant -0.235702261 : f32
    %mul3A_242 = arith.mulf %mul3A_241, %reduce_sum3A_165 : f32
    %add3A_243 = arith.addf %add3A_240, %mul3A_242 : f32
    %mul3A_244 = arith.constant -0.321975261 : f32
    %mul3A_245 = arith.mulf %mul3A_244, %reduce_sum3A_188 : f32
    %add3A_246 = arith.addf %add3A_243, %mul3A_245 : f32
    %mul3A_247 = arith.constant 0.288675129 : f32
    %mul3A_248 = arith.mulf %mul3A_247, %reduce_sum3A_73 : f32
    %add3A_249 = arith.constant 0.000000e+00 : f32
    %add3A_250 = arith.addf %add3A_249, %mul3A_248 : f32
    %mul3A_251 = arith.constant 2.04107792E-17 : f32
    %mul3A_252 = arith.mulf %mul3A_251, %reduce_sum3A_96 : f32
    %add3A_253 = arith.addf %add3A_250, %mul3A_252 : f32
    %mul3A_254 = arith.constant -0.288675129 : f32
    %mul3A_255 = arith.mulf %mul3A_254, %reduce_sum3A_119 : f32
    %add3A_256 = arith.addf %add3A_253, %mul3A_255 : f32
    %mul3A_257 = arith.constant -0.288675129 : f32
    %mul3A_258 = arith.mulf %mul3A_257, %reduce_sum3A_142 : f32
    %add3A_259 = arith.addf %add3A_256, %mul3A_258 : f32
    %mul3A_260 = arith.constant -6.12323426E-17 : f32
    %mul3A_261 = arith.mulf %mul3A_260, %reduce_sum3A_165 : f32
    %add3A_262 = arith.addf %add3A_259, %mul3A_261 : f32
    %mul3A_263 = arith.constant 0.288675129 : f32
    %mul3A_264 = arith.mulf %mul3A_263, %reduce_sum3A_188 : f32
    %add3A_265 = arith.addf %add3A_262, %mul3A_264 : f32
    %mul3A_266 = arith.constant 0.235702261 : f32
    %mul3A_267 = arith.mulf %mul3A_266, %reduce_sum3A_73 : f32
    %add3A_268 = arith.constant 0.000000e+00 : f32
    %add3A_269 = arith.addf %add3A_268, %mul3A_267 : f32
    %mul3A_270 = arith.constant -0.235702261 : f32
    %mul3A_271 = arith.mulf %mul3A_270, %reduce_sum3A_96 : f32
    %add3A_272 = arith.addf %add3A_269, %mul3A_271 : f32
    %mul3A_273 = arith.constant -0.235702261 : f32
    %mul3A_274 = arith.mulf %mul3A_273, %reduce_sum3A_119 : f32
    %add3A_275 = arith.addf %add3A_272, %mul3A_274 : f32
    %mul3A_276 = arith.constant 0.235702261 : f32
    %mul3A_277 = arith.mulf %mul3A_276, %reduce_sum3A_142 : f32
    %add3A_278 = arith.addf %add3A_275, %mul3A_277 : f32
    %mul3A_279 = arith.constant 0.235702261 : f32
    %mul3A_280 = arith.mulf %mul3A_279, %reduce_sum3A_165 : f32
    %add3A_281 = arith.addf %add3A_278, %mul3A_280 : f32
    %mul3A_282 = arith.constant -0.235702261 : f32
    %mul3A_283 = arith.mulf %mul3A_282, %reduce_sum3A_188 : f32
    %add3A_284 = arith.addf %add3A_281, %mul3A_283 : f32
    %mul3A_285 = arith.constant 0.166666672 : f32
    %mul3A_286 = arith.mulf %mul3A_285, %reduce_sum3A_73 : f32
    %add3A_287 = arith.constant 0.000000e+00 : f32
    %add3A_288 = arith.addf %add3A_287, %mul3A_286 : f32
    %mul3A_289 = arith.constant -0.333333343 : f32
    %mul3A_290 = arith.mulf %mul3A_289, %reduce_sum3A_96 : f32
    %add3A_291 = arith.addf %add3A_288, %mul3A_290 : f32
    %mul3A_292 = arith.constant 0.166666672 : f32
    %mul3A_293 = arith.mulf %mul3A_292, %reduce_sum3A_119 : f32
    %add3A_294 = arith.addf %add3A_291, %mul3A_293 : f32
    %mul3A_295 = arith.constant 0.166666672 : f32
    %mul3A_296 = arith.mulf %mul3A_295, %reduce_sum3A_142 : f32
    %add3A_297 = arith.addf %add3A_294, %mul3A_296 : f32
    %mul3A_298 = arith.constant -0.333333343 : f32
    %mul3A_299 = arith.mulf %mul3A_298, %reduce_sum3A_165 : f32
    %add3A_300 = arith.addf %add3A_297, %mul3A_299 : f32
    %mul3A_301 = arith.constant 0.166666672 : f32
    %mul3A_302 = arith.mulf %mul3A_301, %reduce_sum3A_188 : f32
    %add3A_303 = arith.addf %add3A_300, %mul3A_302 : f32
    %mul3A_304 = arith.constant 0.0862730145 : f32
    %mul3A_305 = arith.mulf %mul3A_304, %reduce_sum3A_73 : f32
    %add3A_306 = arith.constant 0.000000e+00 : f32
    %add3A_307 = arith.addf %add3A_306, %mul3A_305 : f32
    %mul3A_308 = arith.constant -0.235702261 : f32
    %mul3A_309 = arith.mulf %mul3A_308, %reduce_sum3A_96 : f32
    %add3A_310 = arith.addf %add3A_307, %mul3A_309 : f32
    %mul3A_311 = arith.constant 0.321975261 : f32
    %mul3A_312 = arith.mulf %mul3A_311, %reduce_sum3A_119 : f32
    %add3A_313 = arith.addf %add3A_310, %mul3A_312 : f32
    %mul3A_314 = arith.constant -0.321975261 : f32
    %mul3A_315 = arith.mulf %mul3A_314, %reduce_sum3A_142 : f32
    %add3A_316 = arith.addf %add3A_313, %mul3A_315 : f32
    %mul3A_317 = arith.constant 0.235702261 : f32
    %mul3A_318 = arith.mulf %mul3A_317, %reduce_sum3A_165 : f32
    %add3A_319 = arith.addf %add3A_316, %mul3A_318 : f32
    %mul3A_320 = arith.constant -0.0862730145 : f32
    %mul3A_321 = arith.mulf %mul3A_320, %reduce_sum3A_188 : f32
    %add3A_322 = arith.addf %add3A_319, %mul3A_321 : f32
    %get3A_323 = arith.constant 0 : index
    %get3A_324 = arith.constant 0 : index
    %get3A_325 = vector.load %arg1[%get3A_323, %get3A_324] : memref<7840x128xf32, #tpu.memory_space<vmem>>, vector<7840x128xf32>
    %ge3A_326 = vector.broadcast %bitcast_convert_type3A : f32 to vector<7840x128xf32>
    %ge3A_327 = arith.cmpf oge, %get3A_325, %ge3A_326 : vector<7840x128xf32>
    %sub3A_328 = vector.broadcast %add3A_48 : f32 to vector<7840x128xf32>
    %sub3A_329 = arith.subf %get3A_325, %sub3A_328 : vector<7840x128xf32>
    %div3A = arith.constant 1.000000e+00 : f32
    %div3A_330 = arith.divf %div3A, %add3A_52 : f32
    %mul3A_331 = vector.broadcast %div3A_330 : f32 to vector<7840x128xf32>
    %mul3A_332 = arith.mulf %sub3A_329, %mul3A_331 : vector<7840x128xf32>
    %add3A_333 = arith.addf %mul3A_332, %mul3A_332 : vector<7840x128xf32>
    %broadcast_in_dim3A_334 = arith.constant 0.000000e+00 : f32
    %broadcast_in_dim3A_335 = vector.broadcast %broadcast_in_dim3A_334 : f32 to vector<7840x128xf32>
    %broadcast_in_dim3A_336 = arith.constant 0.000000e+00 : f32
    %broadcast_in_dim3A_337 = vector.broadcast %broadcast_in_dim3A_336 : f32 to vector<7840x128xf32>
    %mul3A_338 = arith.mulf %add3A_333, %broadcast_in_dim3A_335 : vector<7840x128xf32>
    %add3A_339 = vector.broadcast %add3A_322 : f32 to vector<7840x128xf32>
    %add3A_340 = arith.addf %add3A_339, %mul3A_338 : vector<7840x128xf32>
    %sub3A_341 = arith.subf %add3A_340, %broadcast_in_dim3A_337 : vector<7840x128xf32>
    %mul3A_342 = arith.mulf %add3A_333, %sub3A_341 : vector<7840x128xf32>
    %add3A_343 = vector.broadcast %add3A_303 : f32 to vector<7840x128xf32>
    %add3A_344 = arith.addf %add3A_343, %mul3A_342 : vector<7840x128xf32>
    %sub3A_345 = arith.subf %add3A_344, %broadcast_in_dim3A_335 : vector<7840x128xf32>
    %mul3A_346 = arith.mulf %add3A_333, %sub3A_345 : vector<7840x128xf32>
    %add3A_347 = vector.broadcast %add3A_284 : f32 to vector<7840x128xf32>
    %add3A_348 = arith.addf %add3A_347, %mul3A_346 : vector<7840x128xf32>
    %sub3A_349 = arith.subf %add3A_348, %sub3A_341 : vector<7840x128xf32>
    %mul3A_350 = arith.mulf %add3A_333, %sub3A_349 : vector<7840x128xf32>
    %add3A_351 = vector.broadcast %add3A_265 : f32 to vector<7840x128xf32>
    %add3A_352 = arith.addf %add3A_351, %mul3A_350 : vector<7840x128xf32>
    %sub3A_353 = arith.subf %add3A_352, %sub3A_345 : vector<7840x128xf32>
    %mul3A_354 = arith.mulf %add3A_333, %sub3A_353 : vector<7840x128xf32>
    %add3A_355 = vector.broadcast %add3A_246 : f32 to vector<7840x128xf32>
    %add3A_356 = arith.addf %add3A_355, %mul3A_354 : vector<7840x128xf32>
    %sub3A_357 = arith.subf %add3A_356, %sub3A_349 : vector<7840x128xf32>
    %mul3A_358 = arith.constant 5.000000e-01 : f32
    %mul3A_359 = arith.mulf %mul3A_358, %add3A_227 : f32
    %mul3A_360 = arith.mulf %mul3A_332, %sub3A_357 : vector<7840x128xf32>
    %add3A_361 = vector.broadcast %mul3A_359 : f32 to vector<7840x128xf32>
    %add3A_362 = arith.addf %add3A_361, %mul3A_360 : vector<7840x128xf32>
    %sub3A_363 = arith.subf %add3A_362, %sub3A_353 : vector<7840x128xf32>
    %jit3A_364 = arith.constant 0.000000e+00 : f32
    %broadcast_in_dim3A_365 = vector.broadcast %jit3A_364 : f32 to vector<7840x128xf32>
    %select_n3A_366 = arith.select %ge3A_327, %sub3A_363, %broadcast_in_dim3A_365 : vector<7840x128xi1>, vector<7840x128xf32>
    %reduce_sum3A_367 = vector.shape_cast %select_n3A_366 : vector<7840x128xf32> to vector<1x7840x128xf32>
    %reduce_sum3A_368 = arith.constant dense<0.000000e+00> : vector<1xf32>
    %reduce_sum3A_369 = vector.multi_reduction <add>, %reduce_sum3A_367, %reduce_sum3A_368 [1, 2] : vector<1x7840x128xf32> to vector<1xf32>
    %reduce_sum3A_370 = vector.shape_cast %reduce_sum3A_369 : vector<1xf32> to vector<1x1x1xf32>
    %reduce_sum3A_371 = vector.extract %reduce_sum3A_370[0, 0, 0] : f32 from vector<1x1x1xf32>
    %convert_element_type3A_372 = arith.extui %ge3A_327 : vector<7840x128xi1> to vector<7840x128xi32>
    %convert_element_type3A_373 = arith.sitofp %convert_element_type3A_372 : vector<7840x128xi32> to vector<7840x128xf32>
    %reduce_sum3A_374 = vector.shape_cast %convert_element_type3A_373 : vector<7840x128xf32> to vector<1x7840x128xf32>
    %reduce_sum3A_375 = arith.constant dense<0.000000e+00> : vector<1xf32>
    %reduce_sum3A_376 = vector.multi_reduction <add>, %reduce_sum3A_374, %reduce_sum3A_375 [1, 2] : vector<1x7840x128xf32> to vector<1xf32>
    %reduce_sum3A_377 = vector.shape_cast %reduce_sum3A_376 : vector<1xf32> to vector<1x1x1xf32>
    %reduce_sum3A_378 = vector.extract %reduce_sum3A_377[0, 0, 0] : f32 from vector<1x1x1xf32>
    %sub3A_379 = arith.constant 8.192000e+03 : f32
    %sub3A_380 = arith.subf %sub3A_379, %reduce_sum3A_378 : f32
    %mul3A_381 = arith.mulf %sub3A_380, %reduce_sum3A_208 : f32
    %add3A_382 = arith.addf %reduce_sum3A_371, %mul3A_381 : f32
    %div3A_383 = arith.constant 0x4C000000 : f32
    %div3A_384 = arith.divf %add3A_382, %div3A_383 : f32
    %swap3A = arith.constant 0 : index
    %swap3A_385 = arith.constant 0 : index
    %swap3A_386 = memref.load %arg3[%swap3A, %swap3A_385] : memref<1x1xf32, #tpu.memory_space<smem>>
    memref.store %div3A_384, %arg3[%swap3A, %swap3A_385] : memref<1x1xf32, #tpu.memory_space<smem>>
    return
  }
}

</mosaic_0001>

<sc_bundles>
// kernel: kernel.4.cloned.1.call-start
scs
__scs_entry_jumppad:
0x0: {  	(pc) =	sbr.rel $0x88, $3  }
0x1: {  	(tag) =	ssettag $0x0;
	lr =	simm.s32 $0x1  }
0x2: {  	[smem:$0x3F9F] =	sst lr;
	_ =	strace $0xD0000000  }
0x3: {  	_ = 	snop  }
0x4: {  	_ = 	snop  }
0x5: {  	_ = 	snop  }
0x6: {  	_ = 	snop  }
0x7: {  	_ = 	snop  }
__scs_overlays_trampoline_lowered:
0x8: {  	[smem:$0x3FAE] =	sst s0  }
0x9: {  	[smem:$0x3FAF] =	sst s1  }
0xa: {  	[smem:$0x3FB0] =	sst s2  }
0xb: {  	[smem:$0x3FB1] =	sst s3  }
0xc: {  	[smem:$0x3FB2] =	sst s4  }
0xd: {  	[smem:$0x3FB3] =	sst s5  }
0xe: {  	[smem:$0x3FB4] =	sst s6  }
0xf: {  	[smem:$0x3FB5] =	sst s7  }
0x10: {  	[smem:$0x3FB6] =	sst s8  }
0x11: {  	[smem:$0x3FB7] =	sst s9;
	s0 =	simm.s32 @!p0 $0x0  }
0x12: {  	s1 =	sld [smem:$0x3F9D];
	s0 =	simm.s32 @p0 $0x1  }
0x13: {  	[smem:$0x3FB8] =	sst s0;
	s0 =	simm.s32 @!p1 $0x0  }
0x14: {  	s2 =	sld [smem:$0x3F9C];
	s0 =	simm.s32 @p1 $0x1  }
0x15: {  	[smem:$0x3FB9] =	sst s0;
	s0 =	simm.s32 @!p2 $0x0  }
0x16: {  	s3 =	sld [smem:$0x3FDB];
	s0 =	simm.s32 @p2 $0x1  }
0x17: {  	s4 =	simm.s32 $0x1BF5;
	[smem:$0x3FBB] =	sst s0  }
0x18: {  	s0 =	sld [smem:$0x3F9E];
	_ =	swait.ge [sflag:s4], $0x0  }
0x19: {  	s7 =	sld [smem:$0x3F9F]  }
0x1a: {  	s8 =	sadd.s32 $0xFFFFE003, lr  }
0x1b: {  	s9 =	sadd.s32 $0xFFFFFEF7, lr;
	s5 =	simm.s32 $0xFFFFFFFF;
	p2 =	slt.u32 s8, $0xFFFFF086  }
0x1c: {  	p1 =	slt.u32 s9, $0xF7A;
	s5 =	simm.s32 @!p2 $0x0  }
0x1d: {  	s5 =	simm.s32 @p1 $0x1;
	p0 =	seq.s32 s7, s2  }
0x1e: {  	s7 =	smul.u32 @!p0 $0xF7A, s2;
	p2 =	seq.s32 @!p0 s5, $0x0  }
0x1f: {  	s9 =	smul.u32 $0xF7A, s1;
	s8 =	simm.s32 @!p0 $0x1BF5;
	p2 =	por !p2, p0  }
0x20: {  	[sflag:s8] =	ssyncset.s32 @!p0 $0xFFFFF086;
	s6 =	sadd.s32 @!p0 s3, s7;
	s7 =	simm.s32 @!p0 $0x108  }
0x21: {  	s3 =	sadd.s32 s3, s9;
	s6 =	sadd.s32 @!p0 $0x88, s6;
	s7 =	simm.s32 @p2 $0x1082  }
0x22: {  	[simem:s7], [sflag:s8] =	dma.local @!p0 [hbm:s6], $0xF7A  }
0x23: {  	s9 =	sor.u32 $0xD0000000, s2;
	s6 =	simm.s32 $0x108;
	_ =	swait.ge @!p0 [sflag:s8], $0x0  }
0x24: {  	s3 =	sadd.s32 $0x88, s3;
	s6 =	simm.s32 @!p1 $0x1082;
	[sflag:s4] =	ssyncset.s32 $0xFFFFF086  }
0x25: {  	[simem:s6], [sflag:s4] =	dma.local [hbm:s3], $0xF7A  }
0x26: {  	[smem:$0x3F9F] =	sst s1;
	(tag) =	ssettag s2;
	_ =	strace s9  }
0x27: {  	s1 =	sld [smem:$0x3FAF]  }
0x28: {  	s2 =	sld [smem:$0x3FB0]  }
0x29: {  	s4 =	sld [smem:$0x3FB2]  }
0x2a: {  	p0 =	seq.s32 s5, $0x0;
	s5 =	sld [smem:$0x3FB3]  }
0x2b: {  	s6 =	sld [smem:$0x3FB4]  }
0x2c: {  	s7 =	sld [smem:$0x3FB5]  }
0x2d: {  	s3 =	simm.s32 $0x108;
	s8 =	sld [smem:$0x3FB6]  }
0x2e: {  	s3 =	simm.s32 @!p0 $0x1082;
	s9 =	sld [smem:$0x3FB7]  }
0x2f: {  	lr =	sadd.s32 s0, s3;
	s0 =	sld [smem:$0x3FAE]  }
0x30: {  	s3 =	sld [smem:$0x3FB1]  }
0x31: {  	[smem:$0x3FBA] =	sst s10  }
0x32: {  	s10 =	sld [smem:$0x3FB8];
	_ =	sdelay $0x3  }
0x33: {  	p0 =	seq.s32 s10, $0x1;
	s10 =	sld [smem:$0x3FBA];
	_ =	sdelay $0x3  }
0x34: {  	[smem:$0x3FBA] =	sst s10  }
0x35: {  	s10 =	sld [smem:$0x3FB9];
	_ =	sdelay $0x3  }
0x36: {  	p1 =	seq.s32 s10, $0x1;
	s10 =	sld [smem:$0x3FBA];
	_ =	sdelay $0x3  }
0x37: {  	[smem:$0x3FBA] =	sst s10  }
0x38: {  	s10 =	sld [smem:$0x3FBB]  }
0x39: {  	_ = 	snop;
	(pc) =	sbr.ind lr, $3  }
0x3a: {  	_ = 	snop  }
0x3b: {  	_ = 	snop  }
0x3c: {  	p2 =	seq.s32 s10, $0x1;
	s10 =	sld [smem:$0x3FBA]  }
0x3d: {  	_ =	shalt  }
0x3e: {  	_ =	shalt  }
0x3f: {  	_ =	shalt  }
0x40: {  	_ =	shalt  }
0x41: {  	_ =	shalt  }
0x42: {  	_ =	shalt  }
0x43: {  	_ =	shalt  }
0x44: {  	_ =	shalt  }
0x45: {  	_ =	shalt  }
0x46: {  	_ =	shalt  }
0x47: {  	_ =	shalt  }
0x48: {  	_ =	shalt  }
0x49: {  	_ =	shalt  }
0x4a: {  	_ =	shalt  }
0x4b: {  	_ =	shalt  }
0x4c: {  	_ =	shalt  }
0x4d: {  	_ =	shalt  }
0x4e: {  	_ =	shalt  }
0x4f: {  	_ =	shalt  }
0x50: {  	_ =	shalt  }
0x51: {  	_ =	shalt  }
0x52: {  	_ =	shalt  }
0x53: {  	_ =	shalt  }
0x54: {  	_ =	shalt  }
0x55: {  	_ =	shalt  }
0x56: {  	_ =	shalt  }
0x57: {  	_ =	shalt  }
0x58: {  	_ =	shalt  }
0x59: {  	_ =	shalt  }
0x5a: {  	_ =	shalt  }
0x5b: {  	_ =	shalt  }
0x5c: {  	_ =	shalt  }
0x5d: {  	_ =	shalt  }
0x5e: {  	_ =	shalt  }
0x5f: {  	_ =	shalt  }
0x60: {  	_ =	shalt  }
0x61: {  	_ =	shalt  }
0x62: {  	_ =	shalt  }
0x63: {  	_ =	shalt  }
0x64: {  	_ =	shalt  }
0x65: {  	_ =	shalt  }
0x66: {  	_ =	shalt  }
0x67: {  	_ =	shalt  }
0x68: {  	_ =	shalt  }
0x69: {  	_ =	shalt  }
0x6a: {  	_ =	shalt  }
0x6b: {  	_ =	shalt  }
0x6c: {  	_ =	shalt  }
0x6d: {  	_ =	shalt  }
0x6e: {  	_ =	shalt  }
0x6f: {  	_ =	shalt  }
0x70: {  	_ =	shalt  }
0x71: {  	_ =	shalt  }
0x72: {  	_ =	shalt  }
0x73: {  	_ =	shalt  }
0x74: {  	_ =	shalt  }
0x75: {  	_ =	shalt  }
0x76: {  	_ =	shalt  }
0x77: {  	_ =	shalt  }
0x78: {  	_ =	shalt  }
0x79: {  	_ =	shalt  }
0x7a: {  	_ =	shalt  }
0x7b: {  	_ =	shalt  }
0x7c: {  	_ =	shalt  }
0x7d: {  	_ =	shalt  }
0x7e: {  	_ =	shalt  }
0x7f: {  	_ =	shalt  }
0x80: {  	_ =	shalt  }
0x81: {  	_ =	shalt  }
0x82: {  	_ =	shalt  }
0x83: {  	_ =	shalt  }
0x84: {  	_ =	shalt  }
0x85: {  	_ =	shalt  }
0x86: {  	_ =	shalt  }
0x87: {  	_ =	shalt  }
.Lfunc_end0:
.L_simem_size_0:
called_computation_lowered:
.L_overlay_start_0:
0x88: {  	s2 =	sld [smem:$0x3FD9]  }
0x89: {  	s3 =	sld [smem:$0x3FFE];
	_ =	sdelay $0x1  }
0x8a: {  	s1 =	srdreg.scid  }
0x8b: {  	s0 =	sand.u32 $0x1, s1  }
0x8c: {  	s17 =	sshll.u32 s0, $0xA;
	s2 =	sadd.s32 s3, s2  }
0x8d: {  	s2 =	sadd.s32 s2, s17  }
0x8e: {  	[smem:$0x3FC6] =	sst s2  }
0x8f: {  	_ = 	snop  }
0x90: {  	s2 =	sld [smem:$0x3FC8];
	(tm) =	ssettm $0x1  }
0x91: {  	s18 =	sld [smem:$0x3FFB];
	_ =	sdelay $0x3  }
0x92: {  	_ =	strace s18  }
0x93: {  	s3 =	sld [smem:$0x3FFC];
	_ =	sdelay $0x3  }
0x94: {  	_ =	strace s3  }
0x95: {  	s3 =	sld [smem:$0x3FFD];
	_ =	sdelay $0x3  }
0x96: {  	_ =	strace s3  }
0x97: {  	_ =	strace $0x8FFFFFFF  }
0x98: {  	s19 =	sld [smem:$0x3FDB];
	_ =	sdelay $0x1  }
0x99: {  	s4 =	simm.s32 $_scs_section_size  }
0x9a: {  	s5 =	simm.s32 $_size__tile_overlayer_lowered;
	s6 =	simm.s32 $_tile_overlayer_lowered  }
0x9b: {  	s22 =	simm.s32 $0x1BFF;
	s21 =	sshll.u32 s6, $0x1;
	s3 =	sadd.s32 s4, s19  }
0x9c: {  	s7 =	simm.s32 $0x0;
	s20 =	sshll.u32 s5, $0x1;
	s5 =	sadd.s32 s21, s3  }
0x9d: {  	[timem:s7], [sflag:s22] =	dma.local [hbm:s5], s20  }
0x9e: {  	_ =	swait.ge [sflag:s22], s20  }
0x9f: {  	s4 =	ssub.s32 $0x0, s20;
	[sflag:s22] =	ssyncset.done $0x0  }
0xa0: {  	[sflag:s22] =	ssyncadd.s32 s4;
	_ =	sdelay $0x1  }
0xa1: {  	s23 =	simm.s32 $0x1B8B  }
0xa2: {  	_ =	swait.ge [sflag:s23], $0x1  }
0xa3: {  	[sflag:s23] =	ssyncset.done $0x0  }
0xa4: {  	s25 =	simm.s32 $0x1B8E;
	s24 =	sld [smem:$0x3FFE];
	[sflag:s23] =	ssyncadd.s32 $0xFFFFFFFF  }
0xa5: {  	s26 =	simm.s32 $execute0_lowered;
	[smem:$0x3FD2] =	sst s25  }
0xa6: {  	s5 =	sshll.u32 s26, $0x1;
	_ =	strace $0x80000046;
	[dreg:$0x1] =	wrdreg $0xFFFFFFFF  }
0xa7: {  	s28 =	simm.s32 $_size_execute0_lowered;
	s3 =	sadd.s32 s3, s5;
	[dreg:$0x0] =	wrdreg $0x0  }
0xa8: {  	s5 =	sshll.u32 s28, $0x1;
	[dreg:$0x2] =	wrdreg s3  }
0xa9: {  	[dreg:$0x3] =	wrdreg s5  }
0xaa: {  	[dreg:$0x4] =	wrdreg $0xC0  }
0xab: {  	_ =	task [dreg:s7], $0x5FFFF  }
0xac: {  	[dreg:$0x1] =	wrdreg $0xFFFFFFFF  }
0xad: {  	[dreg:$0x0] =	wrdreg $0x60  }
0xae: {  	[dreg:$0x2] =	wrdreg s2  }
0xaf: {  	[dreg:$0x3] =	wrdreg s24  }
0xb0: {  	[dreg:$0x4] =	wrdreg $0x9  }
0xb1: {  	_ =	task.clear_ibuf [dreg:s7], $0x5FFFF;
	_ =	strace $0x90000046  }
0xb2: {  	s29 =	simm.s32 $0x9;
	_ =	strace $0x80000048  }
0xb3: {  	_ =	swait.ge [sflag:s29], $0x1  }
0xb4: {  	[sflag:s29] =	ssyncadd.s32 $0xFFFFFFFF  }
0xb5: {  	_ =	strace $0x90000048  }
0xb6: {  	_ =	sfence  }
0xb7: {  	s30 =	sld [smem:$0x0];
	_ =	sdelay $0x2  }
0xb8: {  	s31 =	sshll.u32 s1, $0xD;
	s1 =	sshrl.u32 s1, $0x2  }
0xb9: {  	s3 =	sand.u32 $0x4000, s31;
	s1 =	sadd.s32 s1, s30  }
0xba: {  	s0 =	sor.u32 s3, s0;
	s1 =	sshll.u32 s1, $0x11  }
0xbb: {  	s0 =	sor.u32 s1, s0  }
0xbc: {  	s0 =	sadd.s32 $0x8F2B, s0  }
0xbd: {  	[sflag:s0] =	ssyncadd.remote.s32 $0x1  }
0xbe: {  	_ =	sfence.sel $0xFFFF  }
0xbf: {  	[dreg:$0x0] =	wrdreg $0xFFFFFFFF;
	(pc) =	sbr.abs _section_cstart, $3  }
0xc0: {  	[dreg:$0x1] =	wrdreg $0xFFFFFFFF  }
0xc1: {  	_ =	task.clear_ibuf [dreg:s7], $0x2FFFF;
	_ =	strace $0x9FFFFFFF  }
0xc2: {  	(tm) =	ssettm $0x7FFFFFFF  }
0xc3: {  	_ =	shalt  }
tec
execute0_lowered:
.L_overlay_start_1:
0x0: {  	(tag) =	ssettag $0x1  }
0x1: {  	s3 =	rddreg [dreg:$0x0]  }
0x2: {  	s4 =	rddreg [dreg:$0x1]  }
0x3: {  	s0 =	rddreg [dreg:$0x2]  }
0x4: {  	s2 =	simm.s32 $0x0;
	s1 =	stileid.u32;
	s5 =	srdreg.scid  }
0x5: {  	s10 =	simm.s32 $0x0;
	s6 =	sshll.u32 s1, $0xC;
	s5 =	sand.u32 $0x1, s5  }
0x6: {  	s7 =	sshll.u32 s1, $0x1;
	[smem:$0x7FF] =	sst s2;
	s6 =	sand.u32 $0xC000, s6  }
0x7: {  	s8 =	sor.u32 s5, s7;
	s5 =	ssub.s32 $0x2, s5;
	_ =	strace $0x80000047  }
0x8: {  	s7 =	simm.s32 $0x7A80;
	s4 =	sadd.s32 s6, s4;
	s30 =	sshll.u32 s8, $0x4  }
0x9: {  	s31 =	sshrl.u32 s5, $0x1;
	s9 =	smul.u32 $0xF42, s8;
	p0 =	sne.s32 s8, $0x1F  }
0xa: {  	s8 =	simm.s32 $0x80;
	s6 =	sand.u32 $0x70, s30;
	s5 =	ssub.s32 s5, s31  }
0xb: {  	s4 =	sadd.s32 s6, s4;
	s3 =	sadd.s32 s3, s9;
	s5 =	smax.u32 s5, $0x1  }
0xc: {  	v0 =	vimm.s32 $0x0;
	v1 =	vimm.s32 $0x1;
	s6 =	simm.s32 $0x1;
	s9 =	simm.s32 $0x400;
	s4 =	sadd.s32 $0x800, s4  }
.LBB2_1:
0xd: {  	[tilespmem:s2], [sflag:$0x1] =	stream.linear.gather [hbm4b:s3+s2], $0x7A50, $0x38;
	[tilespmem:$0xBA80] =	vst v63  }
0xe: {  	_ =	swait.ge [sflag:s6], $0x7A50  }
0xf: {  	[sflag:s6] =	ssyncset.done $0x0  }
0x10: {  	s11 =	simm.s32 $0x7B00;
	[sflag:s6] =	ssyncadd.s32 $0xFFFF85B0  }
0x11: {  	[tilespmem:s11+$0xFFFFFF80] =	vst v0  }
0x12: {  	[tilespmem:s11+$0x70] =	vst v0  }
0x13: {  	[tilespmem:s11+$0x60] =	vst v0  }
0x14: {  	[tilespmem:s11+$0x50] =	vst v0  }
0x15: {  	[tilespmem:s11+$0x40] =	vst v0  }
0x16: {  	[tilespmem:s11+$0x30] =	vst v0  }
0x17: {  	[tilespmem:s11+$0x20] =	vst v0  }
0x18: {  	[tilespmem:s11+$0x10] =	vst v0  }
0x19: {  	[tilespmem:s11+$0x0] =	vst v0  }
0x1a: {  	[tilespmem:s11+$0xFFFFFFF0] =	vst v0  }
0x1b: {  	[tilespmem:s11+$0xFFFFFFE0] =	vst v0  }
0x1c: {  	[tilespmem:s11+$0xFFFFFFD0] =	vst v0  }
0x1d: {  	[tilespmem:s11+$0xFFFFFFC0] =	vst v0  }
0x1e: {  	[tilespmem:s11+$0xFFFFFFB0] =	vst v0  }
0x1f: {  	s12 =	simm.s32 $0x0;
	[tilespmem:s11+$0xFFFFFFA0] =	vst v0  }
.LBB2_2:
0x20: {  	s12 =	sadd.s32 $0x10, s12;
	[tilespmem:s11+$0xFFFFFF90] =	vst v0;
	s11 =	sadd.s32 $0x100, s11  }
0x21: {  	[tilespmem:s11+$0xFFFFFF80] =	vst v0;
	p1 =	slt.u32 s12, $0x3F0  }
0x22: {  	[tilespmem:s11+$0x70] =	vst v0  }
0x23: {  	[tilespmem:s11+$0x60] =	vst v0  }
0x24: {  	[tilespmem:s11+$0x50] =	vst v0  }
0x25: {  	[tilespmem:s11+$0x40] =	vst v0  }
0x26: {  	[tilespmem:s11+$0x30] =	vst v0  }
0x27: {  	[tilespmem:s11+$0x20] =	vst v0  }
0x28: {  	[tilespmem:s11+$0x10] =	vst v0  }
0x29: {  	[tilespmem:s11+$0x0] =	vst v0  }
0x2a: {  	[tilespmem:s11+$0xFFFFFFF0] =	vst v0  }
.Ltmp0:
0x2b: {  	[tilespmem:s11+$0xFFFFFFE0] =	vst v0;
	(pc) =	sbr.rel @p1 .LBB2_2-.Ltmp0, $4  }
0x2c: {  	[tilespmem:s11+$0xFFFFFFD0] =	vst v0  }
0x2d: {  	[tilespmem:s11+$0xFFFFFFC0] =	vst v0  }
0x2e: {  	[tilespmem:s11+$0xFFFFFFB0] =	vst v0  }
0x2f: {  	[tilespmem:s11+$0xFFFFFFA0] =	vst v0  }
0x30: {  	[tilespmem:s11+$0xFFFFFF90] =	vst v0;
	s12 =	simm.s32 $0x80  }
0x31: {  	v2 =	vld [tilespmem:s12+$0xFFFFFF80]  }
0x32: {  	v3 =	vld [tilespmem:s12+$0xFFFFFFE0]  }
0x33: {  	v5 =	vld [tilespmem:s12+$0xFFFFFFF0]  }
0x34: {  	v7 =	vld [tilespmem:s12+$0x40]  }
0x35: {  	v8 =	vld [tilespmem:s12+$0x10];
	_ =	sdelay $0x1  }
0x36: {  	v16 =	vld [tilespmem:s12+$0xFFFFFFD0];
	v4 =	vxor.u32 $0xFFFFFFFF, v2;
	v9 =	vor.u32 $0x80000000, v2  }
0x37: {  	v11 =	vld [tilespmem:s12+$0xFFFFFFC0];
	vm0 =	vlt.s32 v2, $0x0;
	v10 =	vxor.u32 $0xFFFFFFFF, v5;
	vm1 =	vlt.s32 v3, $0x0  }
0x38: {  	v18 =	vld [tilespmem:s12+$0xFFFFFFA0];
	v12 =	vor.u32 $0x80000000, v5;
	v13 =	vor.u32 $0x80000000, v7;
	vm3 =	vlt.s32 v7, $0x0  }
0x39: {  	v6 =	vld [tilespmem:s12+$0x0];
	v15 =	vor.u32 $0x80000000, v8;
	v17 =	vxor.u32 $0xFFFFFFFF, v7;
	vm4 =	vlt.s32 v5, $0x0  }
0x3a: {  	vm2 =	vlt.s32 v8, $0x0;
	v19 =	vxor.u32 $0xFFFFFFFF, v3;
	v20 =	vor.u32 $0x80000000, v3  }
0x3b: {  	v14 =	vld [tilespmem:s12+$0xFFFFFFB0];
	v3 =	vxor.u32 $0xFFFFFFFF, v8;
	v7 =	vxor.u32 $0xFFFFFFFF, v16;
	v8 =	vor.u32 $0x80000000, v16  }
0x3c: {  	v22 =	vxor.u32 $0xFFFFFFFF, v11;
	v23 =	vor.u32 $0x80000000, v11;
	v2 =	vsel vm0, v4, v9;
	v9 =	vld [tilespmem:s12+$0x20]  }
0x3d: {  	vm6 =	vlt.s32 v18, $0x0;
	vm7 =	vlt.s32 v11, $0x0;
	v26 =	vxor.u32 $0xFFFFFFFF, v18  }
0x3e: {  	v18 =	vor.u32 $0x80000000, v18;
	v4 =	vor.u32 $0x80000000, v6;
	vm0 =	vlt.s32 v6, $0x0  }
0x3f: {  	v5 =	vld [tilespmem:s12+$0xFFFFFF90];
	v6 =	vxor.u32 $0xFFFFFFFF, v6;
	v13 =	vsel vm3, v17, v13;
	v2 =	vshrl.u32 v2, $0x12  }
0x40: {  	v17 =	vxor.u32 $0xFFFFFFFF, v14;
	vm3 =	vlt.s32 v14, $0x0;
	v25 =	vshrl.u32 v13, $0x12  }
0x41: {  	v21 =	vxor.u32 $0xFFFFFFFF, v9;
	vm5 =	vlt.s32 v9, $0x0;
	v9 =	vor.u32 $0x80000000, v9  }
0x42: {  	v3 =	vsel vm2, v3, v15;
	vm2 =	vlt.s32 v16, $0x0;
	v16 =	vld [tilespmem:s12+$0x70];
	v9 =	vsel vm5, v21, v9  }
0x43: {  	v14 =	vor.u32 $0x80000000, v14;
	v13 =	vld [tilespmem:s12+$0x50];
	v15 =	vshrl.u32 v3, $0x12;
	v11 =	vshrl.u32 v9, $0x12  }
0x44: {  	v24 =	vxor.u32 $0xFFFFFFFF, v5;
	vm15 =	vlt.s32 v5, $0x0;
	[tilespmem:v2+s7+$0x0] =	vst.idx.add.s32.msk $0xffff, v1;
	v2 =	vor.u32 $0x80000000, v5  }
0x45: {  	v5 =	vsel vm3, v17, v14;
	v14 =	vsel vm4, v10, v12;
	v10 =	vld [tilespmem:s12+$0x60];
	v12 =	vsel vm6, v26, v18  }
0x46: {  	v17 =	vsel vm7, v22, v23;
	[tilespmem:v25+s7+$0x0] =	vst.idx.add.s32.msk $0xffff, v1;
	v2 =	vsel vm15, v24, v2;
	v5 =	vshrl.u32 v5, $0x12  }
0x47: {  	s11 =	simm.s32 $0x0;
	v9 =	vld [tilespmem:s12+$0x30];
	v3 =	vshrl.u32 v17, $0x12;
	v17 =	vsel vm1, v19, v20;
	s12 =	simm.s32 $0x180;
	v2 =	vshrl.u32 v2, $0x12  }
.LBB2_4:
0x48: {  	s11 =	sadd.s32 $0x10, s11;
	v7 =	vsel vm2, v7, v8;
	v8 =	vshrl.u32 v17, $0x12;
	v14 =	vshrl.u32 v14, $0x12;
	[tilespmem:v11+s7+$0x0] =	vst.idx.add.s32.msk $0xffff, v1  }
0x49: {  	v12 =	vshrl.u32 v12, $0x12;
	v4 =	vsel vm0, v6, v4;
	v11 =	vld [tilespmem:s12+$0xFFFFFFA0];
	p1 =	slt.u32 s11, $0x790;
	v17 =	vshrl.u32 v7, $0x12  }
0x4a: {  	v7 =	vshrl.u32 v4, $0x12;
	v4 =	vxor.u32 $0xFFFFFFFF, v10;
	v18 =	vor.u32 $0x80000000, v10;
	v6 =	vld [tilespmem:s12+$0x40]  }
0x4b: {  	v19 =	vor.u32 $0x80000000, v13;
	vm0 =	vlt.s32 v13, $0x0;
	[tilespmem:v15+s7+$0x0] =	vst.idx.add.s32.msk $0xffff, v1;
	v15 =	vxor.u32 $0xFFFFFFFF, v13  }
0x4c: {  	v20 =	vxor.u32 $0xFFFFFFFF, v9;
	v21 =	vor.u32 $0x80000000, v9;
	v13 =	vld [tilespmem:s12+$0xFFFFFF90];
	vm1 =	vlt.s32 v16, $0x0  }
0x4d: {  	vm2 =	vlt.s32 v9, $0x0;
	v9 =	vsel vm0, v15, v19;
	v15 =	vor.u32 $0x80000000, v16;
	v22 =	vld [tilespmem:s12+$0xFFFFFF80]  }
0x4e: {  	v20 =	vsel vm2, v20, v21;
	vm0 =	vlt.s32 v10, $0x0;
	v9 =	vshrl.u32 v9, $0x12;
	v19 =	vld [tilespmem:s12+$0xFFFFFFB0]  }
0x4f: {  	v20 =	vshrl.u32 v20, $0x12;
	v16 =	vxor.u32 $0xFFFFFFFF, v16;
	v4 =	vsel vm0, v4, v18;
	v10 =	vld [tilespmem:s12+$0xFFFFFFC0]  }
0x50: {  	v15 =	vsel vm1, v16, v15;
	v4 =	vshrl.u32 v4, $0x12;
	v18 =	vld [tilespmem:s12+$0xFFFFFFD0]  }
0x51: {  	v15 =	vshrl.u32 v15, $0x12;
	v16 =	vld [tilespmem:s12+$0xFFFFFFE0]  }
0x52: {  	v21 =	vxor.u32 $0xFFFFFFFF, v22;
	v23 =	vor.u32 $0x80000000, v22;
	vm0 =	vlt.s32 v22, $0x0;
	v22 =	vld [tilespmem:s12+$0xFFFFFFF0]  }
0x53: {  	v21 =	vsel vm0, v21, v23;
	v23 =	vld [tilespmem:s12+$0x0]  }
0x54: {  	v24 =	vld [tilespmem:s12+$0x10]  }
0x55: {  	[tilespmem:v4+s7+$0x0] =	vst.idx.add.s32.msk $0xffff, v1  }
0x56: {  	[tilespmem:v15+s7+$0x0] =	vst.idx.add.s32.msk $0xffff, v1  }
0x57: {  	v15 =	vxor.u32 $0xFFFFFFFF, v22;
	v25 =	vld [tilespmem:s12+$0x20]  }
0x58: {  	vm1 =	vlt.s32 v16, $0x0;
	v26 =	vor.u32 $0x80000000, v22;
	v4 =	vor.u32 $0x80000000, v23;
	[tilespmem:v7+s7+$0x0] =	vst.idx.add.s32.msk $0xffff, v1  }
0x59: {  	v27 =	vor.u32 $0x80000000, v6;
	vm4 =	vlt.s32 v6, $0x0;
	v21 =	vshrl.u32 v21, $0x12;
	[tilespmem:v14+s7+$0x0] =	vst.idx.add.s32.msk $0xffff, v1  }
0x5a: {  	vm0 =	vlt.s32 v23, $0x0;
	v28 =	vor.u32 $0x80000000, v24;
	v14 =	vxor.u32 $0xFFFFFFFF, v6;
	[tilespmem:v9+s7+$0x0] =	vst.idx.add.s32.msk $0xffff, v1  }
0x5b: {  	vm3 =	vlt.s32 v22, $0x0;
	v6 =	vxor.u32 $0xFFFFFFFF, v23;
	vm2 =	vlt.s32 v24, $0x0;
	[tilespmem:v8+s7+$0x0] =	vst.idx.add.s32.msk $0xffff, v1  }
0x5c: {  	v22 =	vxor.u32 $0xFFFFFFFF, v16;
	v16 =	vor.u32 $0x80000000, v16;
	v23 =	vxor.u32 $0xFFFFFFFF, v24;
	[tilespmem:v5+s7+$0x0] =	vst.idx.add.s32.msk $0xffff, v1  }
0x5d: {  	v7 =	vxor.u32 $0xFFFFFFFF, v18;
	v8 =	vor.u32 $0x80000000, v18;
	v5 =	vxor.u32 $0xFFFFFFFF, v25;
	[tilespmem:v20+s7+$0x0] =	vst.idx.add.s32.msk $0xffff, v1  }
0x5e: {  	v24 =	vor.u32 $0x80000000, v10;
	v9 =	vsel vm4, v14, v27;
	v20 =	vxor.u32 $0xFFFFFFFF, v10;
	[tilespmem:v2+s7+$0x0] =	vst.idx.add.s32.msk $0xffff, v1  }
0x5f: {  	vm4 =	vlt.s32 v19, $0x0;
	vm5 =	vlt.s32 v25, $0x0;
	v2 =	vxor.u32 $0xFFFFFFFF, v19;
	[tilespmem:v17+s7+$0x0] =	vst.idx.add.s32.msk $0xffff, v1  }
0x60: {  	vm6 =	vlt.s32 v11, $0x0;
	v14 =	vor.u32 $0x80000000, v19;
	v17 =	vor.u32 $0x80000000, v25;
	[tilespmem:v3+s7+$0x0] =	vst.idx.add.s32.msk $0xffff, v1  }
0x61: {  	vm7 =	vlt.s32 v10, $0x0;
	v19 =	vshrl.u32 v9, $0x12;
	v3 =	vxor.u32 $0xFFFFFFFF, v13;
	[tilespmem:v12+s7+$0x0] =	vst.idx.add.s32.msk $0xffff, v1  }
0x62: {  	v10 =	vor.u32 $0x80000000, v13;
	v5 =	vsel vm5, v5, v17;
	v12 =	vxor.u32 $0xFFFFFFFF, v11;
	[tilespmem:v21+s7+$0x0] =	vst.idx.add.s32.msk $0xffff, v1  }
.Ltmp1:
0x63: {  	vm5 =	vlt.s32 v13, $0x0;
	v17 =	vor.u32 $0x80000000, v11;
	v11 =	vshrl.u32 v5, $0x12;
	v9 =	vld [tilespmem:s12+$0x30];
	(pc) =	sbr.rel @p1 .LBB2_4-.Ltmp1, $4  }
0x64: {  	v3 =	vsel vm5, v3, v10;
	v5 =	vsel vm4, v2, v14;
	v14 =	vsel vm3, v15, v26;
	v10 =	vld [tilespmem:s12+$0x60]  }
0x65: {  	v2 =	vshrl.u32 v3, $0x12;
	v5 =	vshrl.u32 v5, $0x12;
	v3 =	vsel vm2, v23, v28;
	v13 =	vld [tilespmem:s12+$0x50]  }
0x66: {  	v12 =	vsel vm6, v12, v17;
	v17 =	vsel vm7, v20, v24;
	v15 =	vshrl.u32 v3, $0x12;
	[tilespmem:v19+s7+$0x0] =	vst.idx.add.s32.msk $0xffff, v1  }
0x67: {  	vm2 =	vlt.s32 v18, $0x0;
	v3 =	vshrl.u32 v17, $0x12;
	v17 =	vsel vm1, v22, v16;
	v16 =	vld [tilespmem:s12+$0x70];
	s12 =	sadd.s32 $0x100, s12  }
0x68: {  	_ =	sdelay $0x1  }
0x69: {  	v4 =	vsel vm0, v6, v4  }
0x6a: {  	v55 =	vshrl.u32 v14, $0x12;
	v57 =	vshrl.u32 v17, $0x12;
	v58 =	vxor.u32 $0xFFFFFFFF, v9  }
0x6b: {  	[tilespmem:v11+s7+$0x0] =	vst.idx.add.s32.msk $0xffff, v1;
	v59 =	vor.u32 $0x80000000, v9;
	vm14 =	vlt.s32 v9, $0x0;
	v62 =	vshrl.u32 v12, $0x12  }
0x6c: {  	[tilespmem:v15+s7+$0x0] =	vst.idx.add.s32.msk $0xffff, v1;
	v18 =	vxor.u32 $0xFFFFFFFF, v10;
	vm1 =	vlt.s32 v10, $0x0;
	v48 =	vor.u32 $0x80000000, v10  }
0x6d: {  	[tilespmem:v5+s7+$0x0] =	vst.idx.add.s32.msk $0xffff, v1;
	v4 =	vshrl.u32 v4, $0x12;
	v60 =	vsel vm14, v58, v59;
	v10 =	vsel vm1, v18, v48  }
0x6e: {  	[tilespmem:v2+s7+$0x0] =	vst.idx.add.s32.msk $0xffff, v1;
	v53 =	vxor.u32 $0xFFFFFFFF, v13;
	v54 =	vor.u32 $0x80000000, v13;
	vm13 =	vlt.s32 v13, $0x0  }
0x6f: {  	[tilespmem:v3+s7+$0x0] =	vst.idx.add.s32.msk $0xffff, v1;
	v6 =	vshrl.u32 v60, $0x12;
	v51 =	vshrl.u32 v10, $0x12;
	v56 =	vsel vm13, v53, v54  }
0x70: {  	vm12 =	vlt.s32 v16, $0x0;
	v49 =	vor.u32 $0x80000000, v16;
	v50 =	vxor.u32 $0xFFFFFFFF, v16;
	[tilespmem:v55+s7+$0x0] =	vst.idx.add.s32.msk $0xffff, v1  }
0x71: {  	v11 =	vshrl.u32 v56, $0x12;
	v52 =	vsel vm12, v50, v49;
	[tilespmem:v57+s7+$0x0] =	vst.idx.add.s32.msk $0xffff, v1  }
0x72: {  	v61 =	vsel vm2, v7, v8;
	[tilespmem:v62+s7+$0x0] =	vst.idx.add.s32.msk $0xffff, v1;
	v10 =	vshrl.u32 v52, $0x12  }
0x73: {  	[tilespmem:v4+s7+$0x0] =	vst.idx.add.s32.msk $0xffff, v1;
	v4 =	vshrl.u32 v61, $0x12  }
0x74: {  	[tilespmem:v6+s7+$0x0] =	vst.idx.add.s32.msk $0xffff, v1  }
0x75: {  	[tilespmem:v51+s7+$0x0] =	vst.idx.add.s32.msk $0xffff, v1  }
0x76: {  	[tilespmem:v11+s7+$0x0] =	vst.idx.add.s32.msk $0xffff, v1  }
0x77: {  	[tilespmem:v10+s7+$0x0] =	vst.idx.add.s32.msk $0xffff, v1  }
0x78: {  	[tilespmem:v4+s7+$0x0] =	vst.idx.add.s32.msk $0xffff, v1  }
0x79: {  	v2 =	vld [tilespmem:$0x7A00];
	_ =	sdelay $0x4  }
0x7a: {  	v3 =	vxor.u32 $0xFFFFFFFF, v2;
	v63 =	vor.u32 $0x80000000, v2;
	vm15 =	vlt.s32 v2, $0x0  }
0x7b: {  	v2 =	vsel vm15, v3, v63  }
0x7c: {  	v2 =	vshrl.u32 v2, $0x12;
	_ =	sdelay $0x4  }
0x7d: {  	[tilespmem:v2+s7+$0x0] =	vst.idx.add.s32.msk $0xffff, v1  }
0x7e: {  	v2 =	vld @!p0 [tilespmem:$0x7A10];
	_ =	sdelay $0x4  }
0x7f: {  	v3 =	vxor.u32 @!p0 $0xFFFFFFFF, v2;
	v4 =	vor.u32 @!p0 $0x80000000, v2;
	vm0 =	vlt.s32 @!p0 v2, $0x0  }
0x80: {  	v2 =	vsel @!p0 vm0, v3, v4  }
0x81: {  	v2 =	vshrl.u32 @!p0 v2, $0x12;
	_ =	sdelay $0x3  }
0x82: {  	s11 =	simm.s32 @!p0 $0x7A80;
	v3 =	vimm.s32 @!p0 $0x1  }
0x83: {  	[tilespmem:v2+s11+$0x0] =	vst.idx.add.s32.msk @!p0 $0xffff, v3  }
0x84: {  	v2 =	vld @!p0 [tilespmem:$0x7A20];
	_ =	sdelay $0x4  }
0x85: {  	v4 =	vxor.u32 @!p0 $0xFFFFFFFF, v2;
	v5 =	vor.u32 @!p0 $0x80000000, v2;
	vm0 =	vlt.s32 @!p0 v2, $0x0  }
0x86: {  	v2 =	vsel @!p0 vm0, v4, v5  }
0x87: {  	v2 =	vshrl.u32 @!p0 v2, $0x12;
	_ =	sdelay $0x4  }
0x88: {  	[tilespmem:v2+s11+$0x0] =	vst.idx.add.s32.msk @!p0 $0xffff, v3  }
0x89: {  	v2 =	vld @!p0 [tilespmem:$0x7A30];
	_ =	sdelay $0x4  }
0x8a: {  	v4 =	vxor.u32 @!p0 $0xFFFFFFFF, v2;
	v5 =	vor.u32 @!p0 $0x80000000, v2;
	vm0 =	vlt.s32 @!p0 v2, $0x0  }
0x8b: {  	v2 =	vsel @!p0 vm0, v4, v5  }
0x8c: {  	v2 =	vshrl.u32 @!p0 v2, $0x12;
	_ =	sdelay $0x4  }
0x8d: {  	[tilespmem:v2+s11+$0x0] =	vst.idx.add.s32.msk @!p0 $0xffff, v3  }
0x8e: {  	v2 =	vld @!p0 [tilespmem:$0x7A40];
	_ =	sdelay $0x4  }
0x8f: {  	v4 =	vxor.u32 @!p0 $0xFFFFFFFF, v2;
	v5 =	vor.u32 @!p0 $0x80000000, v2;
	vm0 =	vlt.s32 @!p0 v2, $0x0  }
0x90: {  	v2 =	vsel @!p0 vm0, v4, v5  }
0x91: {  	v2 =	vshrl.u32 @!p0 v2, $0x12;
	_ =	sdelay $0x2  }
0x92: {  	s10 =	sadd.s32 $0x1, s10  }
0x93: {  	p1 =	sne.s32 s10, s5  }
.Ltmp2:
0x94: {  	[tilespmem:v2+s11+$0x0] =	vst.idx.add.s32.msk @!p0 $0xffff, v3;
	(pc) =	sbr.rel @p1 .LBB2_1-.Ltmp2, $4  }
0x95: {  	[hbm4b:s4+s8] =	stream.strided.scatter [tilespmem:s7], [sflag:$0x1], $0x4000, s9, s8, $0x38;
	[tilespmem:$0xBA80] =	vst v63  }
0x96: {  	_ =	swait.ge [sflag:s6], $0x4000  }
0x97: {  	[sflag:s6] =	ssyncset.done $0x0  }
0x98: {  	[sflag:s6] =	ssyncadd.s32 $0xFFFFC000  }
0x99: {  	_ =	sfence.sel $0x180000  }
0x9a: {  	[bflag:$0x0] =	sbarrier.arrive $0xFFFF  }
0x9b: {  	p0 =	sne.s32 s1, $0x0;
	_ =	strace $0x90000047  }
0x9c: {  	s0 =	sadd.s32 @!p0 $0x100000, s0;
	[bflag:$0x2] =	sbarrier.arrive $0xFFFF  }
0x9d: {  	[sflag:s0] =	ssyncadd.tile.s32 @!p0 $0x1;
	_ =	shalt  }
.Lfunc_end2:
_tile_overlayer_lowered:
.L_overlay_start_2:
0x9e: {  	(tag) =	ssettag $0x2  }
0x9f: {  	s0 =	rddreg [dreg:$0x0];
	s2 =	stileid.u32  }
0xa0: {  	s1 =	rddreg [dreg:$0x1];
	p0 =	sne.s32 s2, $0x0  }
0xa1: {  	s3 =	rddreg [dreg:$0x2];
	[bflag:$0x3] =	sbarrier.arrive $0xFFFF;
	s2 =	simm.s32 @!p0 $0x1C01  }
0xa2: {  	[timem:s3], [sflag:s2] =	dma.local @!p0 [hbm:s0], s1  }
0xa3: {  	s0 =	simm.s32 @!p0 $0x1  }
0xa4: {  	_ =	swait.ge @!p0 [sflag:s0], s1  }
0xa5: {  	s1 =	ssub.s32 @!p0 $0x0, s1;
	[sflag:s0] =	ssyncset.done @!p0 $0x0  }
0xa6: {  	[sflag:s0] =	ssyncadd.s32 @!p0 s1  }
0xa7: {  	[bflag:$0x3] =	sbarrier.arrive $0xFFFF  }
0xa8: {  	_ =	shalt  }

</sc_bundles>
